<compile_context>
chip_gen: v7x
topology: tpu7x:2x2x1
jax: 0.10.2.dev20260603
libtpu: 0.0.44.dev20260713+nightly
codegen_flags: <defaults>
</compile_context>

<pallas_src>
import functools

import jax
import jax.numpy as jnp
from jax import lax
from jax.experimental import pallas as pl
from jax.experimental.pallas import tpu as pltpu
from jax.experimental.pallas import tpu_sc as plsc

DIM = 128
CHUNK = 128
NSPLIT = 2
MLP_BLK = 4096


@functools.lru_cache(maxsize=None)
def _make_gather(B: int, H: int, lo: int, E: int, R: int):
    info = plsc.get_sparse_core_info()
    NC, NS = info.num_cores, info.num_subcores
    NW = NC * NS
    assert H % (8 * NW) == 0
    b_per_w = H // NW
    assert b_per_w % CHUNK == 0
    n_chunks = b_per_w // CHUNK

    mesh = plsc.VectorSubcoreMesh(core_axis_name="c", subcore_axis_name="s")

    @functools.partial(
        pl.kernel,
        mesh=mesh,
        out_type=(
            jax.ShapeDtypeStruct((H, DIM), jnp.float32),
            jax.ShapeDtypeStruct((H, DIM), jnp.float32),
        ),
        scratch_types=[
            pltpu.VMEM((CHUNK,), jnp.int32),
            pltpu.VMEM((CHUNK,), jnp.int32),
            pltpu.VMEM((CHUNK,), jnp.int32),
            pltpu.VMEM((CHUNK,), jnp.int32),
            pltpu.VMEM((CHUNK,), jnp.int32),
            pltpu.VMEM((CHUNK,), jnp.int32),
            pltpu.VMEM((CHUNK, DIM), jnp.float32),
            pltpu.VMEM((CHUNK, DIM), jnp.float32),
            pltpu.VMEM((CHUNK, DIM), jnp.float32),
            pltpu.VMEM((CHUNK, DIM), jnp.float32),
            pltpu.VMEM((CHUNK, DIM), jnp.float32),
            pltpu.VMEM((CHUNK, DIM), jnp.float32),
            pltpu.SemaphoreType.DMA,
            pltpu.SemaphoreType.DMA,
            pltpu.SemaphoreType.DMA,
            pltpu.SemaphoreType.DMA,
            pltpu.SemaphoreType.DMA,
            pltpu.SemaphoreType.DMA,
            pltpu.SemaphoreType.DMA,
            pltpu.SemaphoreType.DMA,
        ],
    )
    def gather_k(ent_hbm, rel_hbm, hidx_hbm, tidx_hbm, ridx_hbm,
                 h_out, p_out,
                 ih0, ih1, it0, it1, ir0, ir1,
                 bh0, bh1, bt0, bt1, br0, br1,
                 gsh0, gsh1, gst0, gst1, gsr0, gsr1, wsh, wsp):
        wid = lax.axis_index("s") * NC + lax.axis_index("c")
        base = wid * b_per_w
        ih = (ih0, ih1)
        it = (it0, it1)
        ir = (ir0, ir1)
        bh = (bh0, bh1)
        bt = (bt0, bt1)
        br = (br0, br1)
        gsh = (gsh0, gsh1)
        gst = (gst0, gst1)
        gsr = (gsr0, gsr1)

        def mul_into(tb, rb):
            def body(row, _):
                for g in range(DIM // 16):
                    sl = pl.ds(g * 16, 16)
                    tb[row, sl] = tb[row, sl] * rb[row, sl]
                return 0
            lax.fori_loop(0, CHUNK, body, 0)

        def start_unit(c):
            b = c & 1
            off = base + c * CHUNK
            pltpu.sync_copy(hidx_hbm.at[pl.ds(lo + off, CHUNK)], ih[b])
            pltpu.sync_copy(tidx_hbm.at[pl.ds(lo + off, CHUNK)], it[b])
            pltpu.sync_copy(ridx_hbm.at[pl.ds(lo + off, CHUNK)], ir[b])
            return (pltpu.async_copy(ent_hbm.at[ih[b]], bh[b], gsh[b]),
                    pltpu.async_copy(ent_hbm.at[it[b]], bt[b], gst[b]),
                    pltpu.async_copy(rel_hbm.at[ir[b]], br[b], gsr[b]))

        def finish_unit(c, handles):
            b = c & 1
            off = base + c * CHUNK
            hh, ht, hr = handles
            hh.wait()
            wh = pltpu.async_copy(bh[b], h_out.at[pl.ds(off, CHUNK)], wsh)
            ht.wait()
            hr.wait()
            mul_into(bt[b], br[b])
            wp = pltpu.async_copy(bt[b], p_out.at[pl.ds(off, CHUNK)], wsp)
            return wh, wp

        pend = [None] * n_chunks
        writes = [None] * n_chunks
        for c in range(n_chunks):
            if c >= 2:
                for w in writes[c - 2]:
                    w.wait()
            pend[c] = start_unit(c)
            if c >= 1:
                writes[c - 1] = finish_unit(c - 1, pend[c - 1])
        writes[n_chunks - 1] = finish_unit(n_chunks - 1, pend[n_chunks - 1])
        if n_chunks >= 2:
            for w in writes[n_chunks - 2]:
                w.wait()
        for w in writes[n_chunks - 1]:
            w.wait()

    return gather_k


def _mlp_body(h_ref, p_ref, W1_ref, b1_ref, W2_ref, b2_ref,
              Wp_ref, bp_ref, out_ref):
    x1 = h_ref[...]
    x2 = p_ref[...]
    ss = (jnp.sum(x1 * x1, axis=1, keepdims=True)
          + jnp.sum(x2 * x2, axis=1, keepdims=True))
    inv = 1.0 / jnp.maximum(jnp.sqrt(ss), 1e-12)
    x = jnp.concatenate([x1 * inv, x2 * inv], axis=1).astype(jnp.bfloat16)
    y = lax.dot_general(x, W1_ref[...], (((1,), (0,)), ((), ())),
                        preferred_element_type=jnp.float32) + b1_ref[...]
    y = jnp.maximum(y, 0.0).astype(jnp.bfloat16)
    y = lax.dot_general(y, W2_ref[...], (((1,), (0,)), ((), ())),
                        preferred_element_type=jnp.float32) + b2_ref[...]
    y = jnp.maximum(y, 0.0)
    s = jnp.sum(y * Wp_ref[...], axis=1, keepdims=True) + bp_ref[...]
    out_ref[...] = jax.nn.sigmoid(s)


@functools.lru_cache(maxsize=None)
def _make_mlp(H: int, blk: int):
    grid = (H // blk,)
    full = lambda i: (0, 0)
    return pl.pallas_call(
        _mlp_body,
        grid=grid,
        in_specs=[
            pl.BlockSpec((blk, DIM), lambda i: (i, 0)),
            pl.BlockSpec((blk, DIM), lambda i: (i, 0)),
            pl.BlockSpec((2 * DIM, 512), full),
            pl.BlockSpec((1, 512), full),
            pl.BlockSpec((512, 256), full),
            pl.BlockSpec((1, 256), full),
            pl.BlockSpec((1, 256), full),
            pl.BlockSpec((1, 1), full),
        ],
        out_specs=pl.BlockSpec((blk, 1), lambda i: (i, 0)),
        out_shape=jax.ShapeDtypeStruct((H, 1), jnp.float32),
    )


def kernel(data, eval, cf_train, ent_emb, rel_emb, W1, b1, W2, b2, Wp, bp):
    B = data.shape[0]
    hidx = data[:, 0]
    tidx = data[:, 1]
    ridx = data[:, 2]
    W1b = W1.T.astype(jnp.bfloat16)
    W2b = W2.T.astype(jnp.bfloat16)
    b1r = b1.reshape(1, -1)
    b2r = b2.reshape(1, -1)
    bpr = bp.reshape(1, 1)
    H = B // NSPLIT
    mlp = _make_mlp(H, min(MLP_BLK, H))
    scores = []
    for k in range(NSPLIT):
        gather = _make_gather(B, H, k * H, ent_emb.shape[0],
                              rel_emb.shape[0])
        h, p = gather(ent_emb, rel_emb, hidx, tidx, ridx)
        scores.append(mlp(h, p, W1b, b1r, W2b, b2r, Wp, bpr))
    return jnp.concatenate(scores, axis=0)

# --- scband reference (transcript-rebuilt; emitter-appended) ---
"""Pipeline reference for scband-kgc-14224931684731 (READ-ONLY COPY).

The authoritative reference and input builder live on the scoring server;
editing this copy changes nothing except your own understanding.
"""

import jax, jax.numpy as jnp
import numpy as np

NUM_ENT = 1000000
NUM_REL = 1000000
DIM = 128
BATCH = 16384


def _row_normalize(w):
    return w / (jnp.linalg.norm(w, axis=1, keepdims=True) + 1e-12)


def setup_inputs(seed: int = 0) -> dict:
    key = jax.random.key(seed)
    ks = jax.random.split(key, 9)
    data = jax.random.randint(ks[0], (BATCH, 3), 0, NUM_ENT, dtype=jnp.int32)
    # embedding tables: xavier-like init then row-normalized (as in _parameter_init(normalize=True))
    ent_emb = _row_normalize(jax.random.normal(ks[1], (NUM_ENT, DIM), dtype=jnp.float32) * 0.02)
    rel_emb = _row_normalize(jax.random.normal(ks[2], (NUM_REL, DIM), dtype=jnp.float32) * 0.02)
    # MLP head params (torch Linear layout: W is [out, in])
    W1 = jax.random.normal(ks[3], (512, 2 * DIM), dtype=jnp.float32) * (1.0 / np.sqrt(2 * DIM))
    b1 = jnp.zeros((512,), dtype=jnp.float32)
    W2 = jax.random.normal(ks[4], (256, 512), dtype=jnp.float32) * (1.0 / np.sqrt(512))
    b2 = jnp.zeros((256,), dtype=jnp.float32)
    Wp = jax.random.normal(ks[5], (1, 256), dtype=jnp.float32) * (1.0 / np.sqrt(256))
    bp = jnp.zeros((1,), dtype=jnp.float32)
    return {"data": data, "eval": 1, "cf_train": 1,
            "ent_emb": ent_emb, "rel_emb": rel_emb,
            "W1": W1, "b1": b1, "W2": W2, "b2": b2, "Wp": Wp, "bp": bp}


def reference(data, eval, cf_train, ent_emb, rel_emb, W1, b1, W2, b2, Wp, bp):
    # eval=1, cf_train=1 path: score raw triples [B, 3] = (h, t, r)
    h = jnp.take(ent_emb, data[:, 0], axis=0)
    t = jnp.take(ent_emb, data[:, 1], axis=0)
    r = jnp.take(rel_emb, data[:, 2], axis=0)
    x = jnp.concatenate([h, r * t], axis=-1)
    # F.normalize(x, p=2, dim=1, eps=1e-12)
    norm = jnp.linalg.norm(x, axis=-1, keepdims=True)
    x = x / jnp.maximum(norm, 1e-12)
    x = jax.nn.relu(x @ W1.T + b1)
    x = jax.nn.relu(x @ W2.T + b2)
    score = jax.nn.sigmoid(x @ Wp.T + bp)
    return score

if __name__ == "__main__":
    import jax
    _d = setup_inputs()
    print(jax.jit(kernel)(*tuple(_d.values())))

</pallas_src>

<mosaic_0001>
#map = affine_map<(d0, d1) -> (0, 0)>
#map1 = affine_map<(d0, d1) -> (0)>
module attributes {stable_mosaic.version = 14 : i64} {
  func.func @gather_k(%arg0: i32, %arg1: i32, %arg2: memref<1000000x128xf32, #tpu.memory_space<hbm>>, %arg3: memref<1000000x128xf32, #tpu.memory_space<hbm>>, %arg4: memref<16384xi32, #tpu.memory_space<hbm>>, %arg5: memref<16384xi32, #tpu.memory_space<hbm>>, %arg6: memref<16384xi32, #tpu.memory_space<hbm>>, %arg7: memref<8192x128xf32, #tpu.memory_space<hbm>>, %arg8: memref<8192x128xf32, #tpu.memory_space<hbm>>, %arg9: memref<128xi32, #tpu.memory_space<vmem>>, %arg10: memref<128xi32, #tpu.memory_space<vmem>>, %arg11: memref<128xi32, #tpu.memory_space<vmem>>, %arg12: memref<128xi32, #tpu.memory_space<vmem>>, %arg13: memref<128xi32, #tpu.memory_space<vmem>>, %arg14: memref<128xi32, #tpu.memory_space<vmem>>, %arg15: memref<128x128xf32, #tpu.memory_space<vmem>>, %arg16: memref<128x128xf32, #tpu.memory_space<vmem>>, %arg17: memref<128x128xf32, #tpu.memory_space<vmem>>, %arg18: memref<128x128xf32, #tpu.memory_space<vmem>>, %arg19: memref<128x128xf32, #tpu.memory_space<vmem>>, %arg20: memref<128x128xf32, #tpu.memory_space<vmem>>, %arg21: memref<!tpu.dma_semaphore, #tpu.memory_space<semaphore_mem>>, %arg22: memref<!tpu.dma_semaphore, #tpu.memory_space<semaphore_mem>>, %arg23: memref<!tpu.dma_semaphore, #tpu.memory_space<semaphore_mem>>, %arg24: memref<!tpu.dma_semaphore, #tpu.memory_space<semaphore_mem>>, %arg25: memref<!tpu.dma_semaphore, #tpu.memory_space<semaphore_mem>>, %arg26: memref<!tpu.dma_semaphore, #tpu.memory_space<semaphore_mem>>, %arg27: memref<!tpu.dma_semaphore, #tpu.memory_space<semaphore_mem>>, %arg28: memref<!tpu.dma_semaphore, #tpu.memory_space<semaphore_mem>>) attributes {dimension_semantics = [#tpu.dimension_semantics<core_parallel>, #tpu.dimension_semantics<subcore_parallel>], iteration_bounds = array<i64: 2, 16>, scalar_prefetch = 0 : i64, scratch_operands = 20 : i64, tpu.core_type = #tpu.core_type<sc_vector_subcore>, window_params = [{transform_indices = #map}, {transform_indices = #map}, {transform_indices = #map1}, {transform_indices = #map1}, {transform_indices = #map1}, {transform_indices = #map}, {transform_indices = #map}]} {
    %mul3A = arith.constant 2 : i32
    %mul3A_0 = arith.muli %arg1, %mul3A : i32
    %add3A = arith.addi %mul3A_0, %arg0 : i32
    %mul3A_1 = arith.constant 256 : i32
    %mul3A_2 = arith.muli %add3A, %mul3A_1 : i32
    %add3A_3 = arith.constant 0 : i32
    %add3A_4 = arith.addi %mul3A_2, %add3A_3 : i32
    %add3A_5 = arith.constant 8192 : i32
    %add3A_6 = arith.addi %add3A_5, %add3A_4 : i32
    "tpu.region"() ({
      %run_scoped3A = tpu.sem_alloc : memref<!tpu.dma_semaphore, #tpu.memory_space<semaphore_mem>>
      %dma_start3A_102 = tpu.memref_slice %arg4[%add3A_6] : memref<16384xi32, #tpu.memory_space<hbm>> -> memref<128xi32, #tpu.memory_space<hbm>>
      %dma_start3A_103 = tpu.memref_slice %arg4[%add3A_6] : memref<16384xi32, #tpu.memory_space<hbm>> -> memref<128xi32, #tpu.memory_space<hbm>>
      tpu.enqueue_dma source(%dma_start3A_103 : memref<128xi32, #tpu.memory_space<hbm>>) target(%arg9 : memref<128xi32, #tpu.memory_space<vmem>>) target_semaphore(%run_scoped3A : memref<!tpu.dma_semaphore, #tpu.memory_space<semaphore_mem>>)
      %dma_wait3A_104 = tpu.memref_slice %arg4[%add3A_6] : memref<16384xi32, #tpu.memory_space<hbm>> -> memref<128xi32, #tpu.memory_space<hbm>>
      %dma_wait3A_105 = tpu.memref_slice %arg4[%add3A_6] : memref<16384xi32, #tpu.memory_space<hbm>> -> memref<128xi32, #tpu.memory_space<hbm>>
      tpu.wait_dma2 semaphore(%run_scoped3A : memref<!tpu.dma_semaphore, #tpu.memory_space<semaphore_mem>>) src(%dma_wait3A_105 : memref<128xi32, #tpu.memory_space<hbm>>) dst(%arg9 : memref<128xi32, #tpu.memory_space<vmem>>)
      tpu.yield
    }) : () -> ()
    %add3A_7 = arith.constant 8192 : i32
    %add3A_8 = arith.addi %add3A_7, %add3A_4 : i32
    "tpu.region"() ({
      %run_scoped3A = tpu.sem_alloc : memref<!tpu.dma_semaphore, #tpu.memory_space<semaphore_mem>>
      %dma_start3A_102 = tpu.memref_slice %arg5[%add3A_8] : memref<16384xi32, #tpu.memory_space<hbm>> -> memref<128xi32, #tpu.memory_space<hbm>>
      %dma_start3A_103 = tpu.memref_slice %arg5[%add3A_8] : memref<16384xi32, #tpu.memory_space<hbm>> -> memref<128xi32, #tpu.memory_space<hbm>>
      tpu.enqueue_dma source(%dma_start3A_103 : memref<128xi32, #tpu.memory_space<hbm>>) target(%arg11 : memref<128xi32, #tpu.memory_space<vmem>>) target_semaphore(%run_scoped3A : memref<!tpu.dma_semaphore, #tpu.memory_space<semaphore_mem>>)
      %dma_wait3A_104 = tpu.memref_slice %arg5[%add3A_8] : memref<16384xi32, #tpu.memory_space<hbm>> -> memref<128xi32, #tpu.memory_space<hbm>>
      %dma_wait3A_105 = tpu.memref_slice %arg5[%add3A_8] : memref<16384xi32, #tpu.memory_space<hbm>> -> memref<128xi32, #tpu.memory_space<hbm>>
      tpu.wait_dma2 semaphore(%run_scoped3A : memref<!tpu.dma_semaphore, #tpu.memory_space<semaphore_mem>>) src(%dma_wait3A_105 : memref<128xi32, #tpu.memory_space<hbm>>) dst(%arg11 : memref<128xi32, #tpu.memory_space<vmem>>)
      tpu.yield
    }) : () -> ()
    %add3A_9 = arith.constant 8192 : i32
    %add3A_10 = arith.addi %add3A_9, %add3A_4 : i32
    "tpu.region"() ({
      %run_scoped3A = tpu.sem_alloc : memref<!tpu.dma_semaphore, #tpu.memory_space<semaphore_mem>>
      %dma_start3A_102 = tpu.memref_slice %arg6[%add3A_10] : memref<16384xi32, #tpu.memory_space<hbm>> -> memref<128xi32, #tpu.memory_space<hbm>>
      %dma_start3A_103 = tpu.memref_slice %arg6[%add3A_10] : memref<16384xi32, #tpu.memory_space<hbm>> -> memref<128xi32, #tpu.memory_space<hbm>>
      tpu.enqueue_dma source(%dma_start3A_103 : memref<128xi32, #tpu.memory_space<hbm>>) target(%arg13 : memref<128xi32, #tpu.memory_space<vmem>>) target_semaphore(%run_scoped3A : memref<!tpu.dma_semaphore, #tpu.memory_space<semaphore_mem>>)
      %dma_wait3A_104 = tpu.memref_slice %arg6[%add3A_10] : memref<16384xi32, #tpu.memory_space<hbm>> -> memref<128xi32, #tpu.memory_space<hbm>>
      %dma_wait3A_105 = tpu.memref_slice %arg6[%add3A_10] : memref<16384xi32, #tpu.memory_space<hbm>> -> memref<128xi32, #tpu.memory_space<hbm>>
      tpu.wait_dma2 semaphore(%run_scoped3A : memref<!tpu.dma_semaphore, #tpu.memory_space<semaphore_mem>>) src(%dma_wait3A_105 : memref<128xi32, #tpu.memory_space<hbm>>) dst(%arg13 : memref<128xi32, #tpu.memory_space<vmem>>)
      tpu.yield
    }) : () -> ()
    %dma_start3A = arith.constant 0 : i32
    %dma_start3A_11 = arith.constant 0 : i32
    %dma_start3A_12 = tpu.memref_slice %arg2[%dma_start3A, %dma_start3A_11] : memref<1000000x128xf32, #tpu.memory_space<hbm>> -> memref<1000000x128xf32, #tpu.memory_space<hbm>>
    tpu.enqueue_indirect_dma source(%dma_start3A_12 : memref<1000000x128xf32, #tpu.memory_space<hbm>>) target(%arg15 : memref<128x128xf32, #tpu.memory_space<vmem>>) offsets(%arg9 : memref<128xi32, #tpu.memory_space<vmem>>) semaphore(%arg21 : memref<!tpu.dma_semaphore, #tpu.memory_space<semaphore_mem>>)
    %dma_start3A_13 = arith.constant 0 : i32
    %dma_start3A_14 = arith.constant 0 : i32
    %dma_start3A_15 = tpu.memref_slice %arg2[%dma_start3A_13, %dma_start3A_14] : memref<1000000x128xf32, #tpu.memory_space<hbm>> -> memref<1000000x128xf32, #tpu.memory_space<hbm>>
    tpu.enqueue_indirect_dma source(%dma_start3A_15 : memref<1000000x128xf32, #tpu.memory_space<hbm>>) target(%arg17 : memref<128x128xf32, #tpu.memory_space<vmem>>) offsets(%arg11 : memref<128xi32, #tpu.memory_space<vmem>>) semaphore(%arg23 : memref<!tpu.dma_semaphore, #tpu.memory_space<semaphore_mem>>)
    %dma_start3A_16 = arith.constant 0 : i32
    %dma_start3A_17 = arith.constant 0 : i32
    %dma_start3A_18 = tpu.memref_slice %arg3[%dma_start3A_16, %dma_start3A_17] : memref<1000000x128xf32, #tpu.memory_space<hbm>> -> memref<1000000x128xf32, #tpu.memory_space<hbm>>
    tpu.enqueue_indirect_dma source(%dma_start3A_18 : memref<1000000x128xf32, #tpu.memory_space<hbm>>) target(%arg19 : memref<128x128xf32, #tpu.memory_space<vmem>>) offsets(%arg13 : memref<128xi32, #tpu.memory_space<vmem>>) semaphore(%arg25 : memref<!tpu.dma_semaphore, #tpu.memory_space<semaphore_mem>>)
    %add3A_19 = arith.constant 128 : i32
    %add3A_20 = arith.addi %mul3A_2, %add3A_19 : i32
    %add3A_21 = arith.constant 8192 : i32
    %add3A_22 = arith.addi %add3A_21, %add3A_20 : i32
    "tpu.region"() ({
      %run_scoped3A = tpu.sem_alloc : memref<!tpu.dma_semaphore, #tpu.memory_space<semaphore_mem>>
      %dma_start3A_102 = tpu.memref_slice %arg4[%add3A_22] : memref<16384xi32, #tpu.memory_space<hbm>> -> memref<128xi32, #tpu.memory_space<hbm>>
      %dma_start3A_103 = tpu.memref_slice %arg4[%add3A_22] : memref<16384xi32, #tpu.memory_space<hbm>> -> memref<128xi32, #tpu.memory_space<hbm>>
      tpu.enqueue_dma source(%dma_start3A_103 : memref<128xi32, #tpu.memory_space<hbm>>) target(%arg10 : memref<128xi32, #tpu.memory_space<vmem>>) target_semaphore(%run_scoped3A : memref<!tpu.dma_semaphore, #tpu.memory_space<semaphore_mem>>)
      %dma_wait3A_104 = tpu.memref_slice %arg4[%add3A_22] : memref<16384xi32, #tpu.memory_space<hbm>> -> memref<128xi32, #tpu.memory_space<hbm>>
      %dma_wait3A_105 = tpu.memref_slice %arg4[%add3A_22] : memref<16384xi32, #tpu.memory_space<hbm>> -> memref<128xi32, #tpu.memory_space<hbm>>
      tpu.wait_dma2 semaphore(%run_scoped3A : memref<!tpu.dma_semaphore, #tpu.memory_space<semaphore_mem>>) src(%dma_wait3A_105 : memref<128xi32, #tpu.memory_space<hbm>>) dst(%arg10 : memref<128xi32, #tpu.memory_space<vmem>>)
      tpu.yield
    }) : () -> ()
    %add3A_23 = arith.constant 8192 : i32
    %add3A_24 = arith.addi %add3A_23, %add3A_20 : i32
    "tpu.region"() ({
      %run_scoped3A = tpu.sem_alloc : memref<!tpu.dma_semaphore, #tpu.memory_space<semaphore_mem>>
      %dma_start3A_102 = tpu.memref_slice %arg5[%add3A_24] : memref<16384xi32, #tpu.memory_space<hbm>> -> memref<128xi32, #tpu.memory_space<hbm>>
      %dma_start3A_103 = tpu.memref_slice %arg5[%add3A_24] : memref<16384xi32, #tpu.memory_space<hbm>> -> memref<128xi32, #tpu.memory_space<hbm>>
      tpu.enqueue_dma source(%dma_start3A_103 : memref<128xi32, #tpu.memory_space<hbm>>) target(%arg12 : memref<128xi32, #tpu.memory_space<vmem>>) target_semaphore(%run_scoped3A : memref<!tpu.dma_semaphore, #tpu.memory_space<semaphore_mem>>)
      %dma_wait3A_104 = tpu.memref_slice %arg5[%add3A_24] : memref<16384xi32, #tpu.memory_space<hbm>> -> memref<128xi32, #tpu.memory_space<hbm>>
      %dma_wait3A_105 = tpu.memref_slice %arg5[%add3A_24] : memref<16384xi32, #tpu.memory_space<hbm>> -> memref<128xi32, #tpu.memory_space<hbm>>
      tpu.wait_dma2 semaphore(%run_scoped3A : memref<!tpu.dma_semaphore, #tpu.memory_space<semaphore_mem>>) src(%dma_wait3A_105 : memref<128xi32, #tpu.memory_space<hbm>>) dst(%arg12 : memref<128xi32, #tpu.memory_space<vmem>>)
      tpu.yield
    }) : () -> ()
    %add3A_25 = arith.constant 8192 : i32
    %add3A_26 = arith.addi %add3A_25, %add3A_20 : i32
    "tpu.region"() ({
      %run_scoped3A = tpu.sem_alloc : memref<!tpu.dma_semaphore, #tpu.memory_space<semaphore_mem>>
      %dma_start3A_102 = tpu.memref_slice %arg6[%add3A_26] : memref<16384xi32, #tpu.memory_space<hbm>> -> memref<128xi32, #tpu.memory_space<hbm>>
      %dma_start3A_103 = tpu.memref_slice %arg6[%add3A_26] : memref<16384xi32, #tpu.memory_space<hbm>> -> memref<128xi32, #tpu.memory_space<hbm>>
      tpu.enqueue_dma source(%dma_start3A_103 : memref<128xi32, #tpu.memory_space<hbm>>) target(%arg14 : memref<128xi32, #tpu.memory_space<vmem>>) target_semaphore(%run_scoped3A : memref<!tpu.dma_semaphore, #tpu.memory_space<semaphore_mem>>)
      %dma_wait3A_104 = tpu.memref_slice %arg6[%add3A_26] : memref<16384xi32, #tpu.memory_space<hbm>> -> memref<128xi32, #tpu.memory_space<hbm>>
      %dma_wait3A_105 = tpu.memref_slice %arg6[%add3A_26] : memref<16384xi32, #tpu.memory_space<hbm>> -> memref<128xi32, #tpu.memory_space<hbm>>
      tpu.wait_dma2 semaphore(%run_scoped3A : memref<!tpu.dma_semaphore, #tpu.memory_space<semaphore_mem>>) src(%dma_wait3A_105 : memref<128xi32, #tpu.memory_space<hbm>>) dst(%arg14 : memref<128xi32, #tpu.memory_space<vmem>>)
      tpu.yield
    }) : () -> ()
    %dma_start3A_27 = arith.constant 0 : i32
    %dma_start3A_28 = arith.constant 0 : i32
    %dma_start3A_29 = tpu.memref_slice %arg2[%dma_start3A_27, %dma_start3A_28] : memref<1000000x128xf32, #tpu.memory_space<hbm>> -> memref<1000000x128xf32, #tpu.memory_space<hbm>>
    tpu.enqueue_indirect_dma source(%dma_start3A_29 : memref<1000000x128xf32, #tpu.memory_space<hbm>>) target(%arg16 : memref<128x128xf32, #tpu.memory_space<vmem>>) offsets(%arg10 : memref<128xi32, #tpu.memory_space<vmem>>) semaphore(%arg22 : memref<!tpu.dma_semaphore, #tpu.memory_space<semaphore_mem>>)
    %dma_start3A_30 = arith.constant 0 : i32
    %dma_start3A_31 = arith.constant 0 : i32
    %dma_start3A_32 = tpu.memref_slice %arg2[%dma_start3A_30, %dma_start3A_31] : memref<1000000x128xf32, #tpu.memory_space<hbm>> -> memref<1000000x128xf32, #tpu.memory_space<hbm>>
    tpu.enqueue_indirect_dma source(%dma_start3A_32 : memref<1000000x128xf32, #tpu.memory_space<hbm>>) target(%arg18 : memref<128x128xf32, #tpu.memory_space<vmem>>) offsets(%arg12 : memref<128xi32, #tpu.memory_space<vmem>>) semaphore(%arg24 : memref<!tpu.dma_semaphore, #tpu.memory_space<semaphore_mem>>)
    %dma_start3A_33 = arith.constant 0 : i32
    %dma_start3A_34 = arith.constant 0 : i32
    %dma_start3A_35 = tpu.memref_slice %arg3[%dma_start3A_33, %dma_start3A_34] : memref<1000000x128xf32, #tpu.memory_space<hbm>> -> memref<1000000x128xf32, #tpu.memory_space<hbm>>
    tpu.enqueue_indirect_dma source(%dma_start3A_35 : memref<1000000x128xf32, #tpu.memory_space<hbm>>) target(%arg20 : memref<128x128xf32, #tpu.memory_space<vmem>>) offsets(%arg14 : memref<128xi32, #tpu.memory_space<vmem>>) semaphore(%arg26 : memref<!tpu.dma_semaphore, #tpu.memory_space<semaphore_mem>>)
    %add3A_36 = arith.constant 0 : i32
    %add3A_37 = arith.addi %mul3A_2, %add3A_36 : i32
    %dma_wait3A = arith.constant 0 : i32
    %dma_wait3A_38 = arith.constant 0 : i32
    %dma_wait3A_39 = tpu.memref_slice %arg2[%dma_wait3A, %dma_wait3A_38] : memref<1000000x128xf32, #tpu.memory_space<hbm>> -> memref<1000000x128xf32, #tpu.memory_space<hbm>>
    tpu.wait_indirect_dma semaphore(%arg21 : memref<!tpu.dma_semaphore, #tpu.memory_space<semaphore_mem>>) src(%dma_wait3A_39 : memref<1000000x128xf32, #tpu.memory_space<hbm>>) dst(%arg15 : memref<128x128xf32, #tpu.memory_space<vmem>>)
    %dma_start3A_40 = arith.constant 0 : i32
    %dma_start3A_41 = tpu.memref_slice %arg7[%add3A_37, %dma_start3A_40] : memref<8192x128xf32, #tpu.memory_space<hbm>> -> memref<128x128xf32, #tpu.memory_space<hbm>>
    %dma_start3A_42 = arith.constant 0 : i32
    %dma_start3A_43 = tpu.memref_slice %arg7[%add3A_37, %dma_start3A_42] : memref<8192x128xf32, #tpu.memory_space<hbm>> -> memref<128x128xf32, #tpu.memory_space<hbm>>
    tpu.enqueue_dma source(%arg15 : memref<128x128xf32, #tpu.memory_space<vmem>>) target(%dma_start3A_43 : memref<128x128xf32, #tpu.memory_space<hbm>>) target_semaphore(%arg27 : memref<!tpu.dma_semaphore, #tpu.memory_space<semaphore_mem>>)
    %dma_wait3A_44 = arith.constant 0 : i32
    %dma_wait3A_45 = arith.constant 0 : i32
    %dma_wait3A_46 = tpu.memref_slice %arg2[%dma_wait3A_44, %dma_wait3A_45] : memref<1000000x128xf32, #tpu.memory_space<hbm>> -> memref<1000000x128xf32, #tpu.memory_space<hbm>>
    tpu.wait_indirect_dma semaphore(%arg23 : memref<!tpu.dma_semaphore, #tpu.memory_space<semaphore_mem>>) src(%dma_wait3A_46 : memref<1000000x128xf32, #tpu.memory_space<hbm>>) dst(%arg17 : memref<128x128xf32, #tpu.memory_space<vmem>>)
    %dma_wait3A_47 = arith.constant 0 : i32
    %dma_wait3A_48 = arith.constant 0 : i32
    %dma_wait3A_49 = tpu.memref_slice %arg3[%dma_wait3A_47, %dma_wait3A_48] : memref<1000000x128xf32, #tpu.memory_space<hbm>> -> memref<1000000x128xf32, #tpu.memory_space<hbm>>
    tpu.wait_indirect_dma semaphore(%arg25 : memref<!tpu.dma_semaphore, #tpu.memory_space<semaphore_mem>>) src(%dma_wait3A_49 : memref<1000000x128xf32, #tpu.memory_space<hbm>>) dst(%arg19 : memref<128x128xf32, #tpu.memory_space<vmem>>)
    %scan3A = arith.constant 0 : i32
    %scan3A_50 = arith.constant 0 : i32
    %scan3A_51 = arith.constant 128 : i32
    %scan3A_52 = arith.addi %scan3A_50, %scan3A_51 : i32
    %scan3A_53 = arith.constant 1 : i32
    %scan3A_54 = scf.for %scan3A_102 = %scan3A_50 to %scan3A_52 step %scan3A_53 iter_args(%scan3A_103 = %scan3A) -> (i32)  : i32 {
      %get3A = arith.index_cast %scan3A_102 : i32 to index
      %get3A_104 = arith.constant 0 : index
      %get3A_105 = tpu.vector_load %arg17[%get3A, %get3A_104] {strides = array<i32>} : memref<128x128xf32, #tpu.memory_space<vmem>>, vector<1x16xf32>,
      %get3A_106 = vector.shape_cast %get3A_105 : vector<1x16xf32> to vector<16xf32>
      %get3A_107 = arith.index_cast %scan3A_102 : i32 to index
      %get3A_108 = arith.constant 0 : index
      %get3A_109 = tpu.vector_load %arg19[%get3A_107, %get3A_108] {strides = array<i32>} : memref<128x128xf32, #tpu.memory_space<vmem>>, vector<1x16xf32>,
      %get3A_110 = vector.shape_cast %get3A_109 : vector<1x16xf32> to vector<16xf32>
      %mul3A_111 = arith.mulf %get3A_106, %get3A_110 : vector<16xf32>
      %swap3A = arith.index_cast %scan3A_102 : i32 to index
      %swap3A_112 = arith.constant 0 : index
      %swap3A_113 = tpu.vector_load %arg17[%swap3A, %swap3A_112] {strides = array<i32>} : memref<128x128xf32, #tpu.memory_space<vmem>>, vector<1x16xf32>,
      %swap3A_114 = vector.shape_cast %swap3A_113 : vector<1x16xf32> to vector<16xf32>
      %swap3A_115 = vector.shape_cast %mul3A_111 : vector<16xf32> to vector<1x16xf32>
      tpu.vector_store %arg17[%swap3A, %swap3A_112], %swap3A_115 {strides = array<i32>} : memref<128x128xf32, #tpu.memory_space<vmem>>, vector<1x16xf32>,
      %get3A_116 = arith.index_cast %scan3A_102 : i32 to index
      %get3A_117 = arith.constant 16 : index
      %get3A_118 = tpu.vector_load %arg17[%get3A_116, %get3A_117] {strides = array<i32>} : memref<128x128xf32, #tpu.memory_space<vmem>>, vector<1x16xf32>,
      %get3A_119 = vector.shape_cast %get3A_118 : vector<1x16xf32> to vector<16xf32>
      %get3A_120 = arith.index_cast %scan3A_102 : i32 to index
      %get3A_121 = arith.constant 16 : index
      %get3A_122 = tpu.vector_load %arg19[%get3A_120, %get3A_121] {strides = array<i32>} : memref<128x128xf32, #tpu.memory_space<vmem>>, vector<1x16xf32>,
      %get3A_123 = vector.shape_cast %get3A_122 : vector<1x16xf32> to vector<16xf32>
      %mul3A_124 = arith.mulf %get3A_119, %get3A_123 : vector<16xf32>
      %swap3A_125 = arith.index_cast %scan3A_102 : i32 to index
      %swap3A_126 = arith.constant 16 : index
      %swap3A_127 = tpu.vector_load %arg17[%swap3A_125, %swap3A_126] {strides = array<i32>} : memref<128x128xf32, #tpu.memory_space<vmem>>, vector<1x16xf32>,
      %swap3A_128 = vector.shape_cast %swap3A_127 : vector<1x16xf32> to vector<16xf32>
      %swap3A_129 = vector.shape_cast %mul3A_124 : vector<16xf32> to vector<1x16xf32>
      tpu.vector_store %arg17[%swap3A_125, %swap3A_126], %swap3A_129 {strides = array<i32>} : memref<128x128xf32, #tpu.memory_space<vmem>>, vector<1x16xf32>,
      %get3A_130 = arith.index_cast %scan3A_102 : i32 to index
      %get3A_131 = arith.constant 32 : index
      %get3A_132 = tpu.vector_load %arg17[%get3A_130, %get3A_131] {strides = array<i32>} : memref<128x128xf32, #tpu.memory_space<vmem>>, vector<1x16xf32>,
      %get3A_133 = vector.shape_cast %get3A_132 : vector<1x16xf32> to vector<16xf32>
      %get3A_134 = arith.index_cast %scan3A_102 : i32 to index
      %get3A_135 = arith.constant 32 : index
      %get3A_136 = tpu.vector_load %arg19[%get3A_134, %get3A_135] {strides = array<i32>} : memref<128x128xf32, #tpu.memory_space<vmem>>, vector<1x16xf32>,
      %get3A_137 = vector.shape_cast %get3A_136 : vector<1x16xf32> to vector<16xf32>
      %mul3A_138 = arith.mulf %get3A_133, %get3A_137 : vector<16xf32>
      %swap3A_139 = arith.index_cast %scan3A_102 : i32 to index
      %swap3A_140 = arith.constant 32 : index
      %swap3A_141 = tpu.vector_load %arg17[%swap3A_139, %swap3A_140] {strides = array<i32>} : memref<128x128xf32, #tpu.memory_space<vmem>>, vector<1x16xf32>,
      %swap3A_142 = vector.shape_cast %swap3A_141 : vector<1x16xf32> to vector<16xf32>
      %swap3A_143 = vector.shape_cast %mul3A_138 : vector<16xf32> to vector<1x16xf32>
      tpu.vector_store %arg17[%swap3A_139, %swap3A_140], %swap3A_143 {strides = array<i32>} : memref<128x128xf32, #tpu.memory_space<vmem>>, vector<1x16xf32>,
      %get3A_144 = arith.index_cast %scan3A_102 : i32 to index
      %get3A_145 = arith.constant 48 : index
      %get3A_146 = tpu.vector_load %arg17[%get3A_144, %get3A_145] {strides = array<i32>} : memref<128x128xf32, #tpu.memory_space<vmem>>, vector<1x16xf32>,
      %get3A_147 = vector.shape_cast %get3A_146 : vector<1x16xf32> to vector<16xf32>
      %get3A_148 = arith.index_cast %scan3A_102 : i32 to index
      %get3A_149 = arith.constant 48 : index
      %get3A_150 = tpu.vector_load %arg19[%get3A_148, %get3A_149] {strides = array<i32>} : memref<128x128xf32, #tpu.memory_space<vmem>>, vector<1x16xf32>,
      %get3A_151 = vector.shape_cast %get3A_150 : vector<1x16xf32> to vector<16xf32>
      %mul3A_152 = arith.mulf %get3A_147, %get3A_151 : vector<16xf32>
      %swap3A_153 = arith.index_cast %scan3A_102 : i32 to index
      %swap3A_154 = arith.constant 48 : index
      %swap3A_155 = tpu.vector_load %arg17[%swap3A_153, %swap3A_154] {strides = array<i32>} : memref<128x128xf32, #tpu.memory_space<vmem>>, vector<1x16xf32>,
      %swap3A_156 = vector.shape_cast %swap3A_155 : vector<1x16xf32> to vector<16xf32>
      %swap3A_157 = vector.shape_cast %mul3A_152 : vector<16xf32> to vector<1x16xf32>
      tpu.vector_store %arg17[%swap3A_153, %swap3A_154], %swap3A_157 {strides = array<i32>} : memref<128x128xf32, #tpu.memory_space<vmem>>, vector<1x16xf32>,
      %get3A_158 = arith.index_cast %scan3A_102 : i32 to index
      %get3A_159 = arith.constant 64 : index
      %get3A_160 = tpu.vector_load %arg17[%get3A_158, %get3A_159] {strides = array<i32>} : memref<128x128xf32, #tpu.memory_space<vmem>>, vector<1x16xf32>,
      %get3A_161 = vector.shape_cast %get3A_160 : vector<1x16xf32> to vector<16xf32>
      %get3A_162 = arith.index_cast %scan3A_102 : i32 to index
      %get3A_163 = arith.constant 64 : index
      %get3A_164 = tpu.vector_load %arg19[%get3A_162, %get3A_163] {strides = array<i32>} : memref<128x128xf32, #tpu.memory_space<vmem>>, vector<1x16xf32>,
      %get3A_165 = vector.shape_cast %get3A_164 : vector<1x16xf32> to vector<16xf32>
      %mul3A_166 = arith.mulf %get3A_161, %get3A_165 : vector<16xf32>
      %swap3A_167 = arith.index_cast %scan3A_102 : i32 to index
      %swap3A_168 = arith.constant 64 : index
      %swap3A_169 = tpu.vector_load %arg17[%swap3A_167, %swap3A_168] {strides = array<i32>} : memref<128x128xf32, #tpu.memory_space<vmem>>, vector<1x16xf32>,
      %swap3A_170 = vector.shape_cast %swap3A_169 : vector<1x16xf32> to vector<16xf32>
      %swap3A_171 = vector.shape_cast %mul3A_166 : vector<16xf32> to vector<1x16xf32>
      tpu.vector_store %arg17[%swap3A_167, %swap3A_168], %swap3A_171 {strides = array<i32>} : memref<128x128xf32, #tpu.memory_space<vmem>>, vector<1x16xf32>,
      %get3A_172 = arith.index_cast %scan3A_102 : i32 to index
      %get3A_173 = arith.constant 80 : index
      %get3A_174 = tpu.vector_load %arg17[%get3A_172, %get3A_173] {strides = array<i32>} : memref<128x128xf32, #tpu.memory_space<vmem>>, vector<1x16xf32>,
      %get3A_175 = vector.shape_cast %get3A_174 : vector<1x16xf32> to vector<16xf32>
      %get3A_176 = arith.index_cast %scan3A_102 : i32 to index
      %get3A_177 = arith.constant 80 : index
      %get3A_178 = tpu.vector_load %arg19[%get3A_176, %get3A_177] {strides = array<i32>} : memref<128x128xf32, #tpu.memory_space<vmem>>, vector<1x16xf32>,
      %get3A_179 = vector.shape_cast %get3A_178 : vector<1x16xf32> to vector<16xf32>
      %mul3A_180 = arith.mulf %get3A_175, %get3A_179 : vector<16xf32>
      %swap3A_181 = arith.index_cast %scan3A_102 : i32 to index
      %swap3A_182 = arith.constant 80 : index
      %swap3A_183 = tpu.vector_load %arg17[%swap3A_181, %swap3A_182] {strides = array<i32>} : memref<128x128xf32, #tpu.memory_space<vmem>>, vector<1x16xf32>,
      %swap3A_184 = vector.shape_cast %swap3A_183 : vector<1x16xf32> to vector<16xf32>
      %swap3A_185 = vector.shape_cast %mul3A_180 : vector<16xf32> to vector<1x16xf32>
      tpu.vector_store %arg17[%swap3A_181, %swap3A_182], %swap3A_185 {strides = array<i32>} : memref<128x128xf32, #tpu.memory_space<vmem>>, vector<1x16xf32>,
      %get3A_186 = arith.index_cast %scan3A_102 : i32 to index
      %get3A_187 = arith.constant 96 : index
      %get3A_188 = tpu.vector_load %arg17[%get3A_186, %get3A_187] {strides = array<i32>} : memref<128x128xf32, #tpu.memory_space<vmem>>, vector<1x16xf32>,
      %get3A_189 = vector.shape_cast %get3A_188 : vector<1x16xf32> to vector<16xf32>
      %get3A_190 = arith.index_cast %scan3A_102 : i32 to index
      %get3A_191 = arith.constant 96 : index
      %get3A_192 = tpu.vector_load %arg19[%get3A_190, %get3A_191] {strides = array<i32>} : memref<128x128xf32, #tpu.memory_space<vmem>>, vector<1x16xf32>,
      %get3A_193 = vector.shape_cast %get3A_192 : vector<1x16xf32> to vector<16xf32>
      %mul3A_194 = arith.mulf %get3A_189, %get3A_193 : vector<16xf32>
      %swap3A_195 = arith.index_cast %scan3A_102 : i32 to index
      %swap3A_196 = arith.constant 96 : index
      %swap3A_197 = tpu.vector_load %arg17[%swap3A_195, %swap3A_196] {strides = array<i32>} : memref<128x128xf32, #tpu.memory_space<vmem>>, vector<1x16xf32>,
      %swap3A_198 = vector.shape_cast %swap3A_197 : vector<1x16xf32> to vector<16xf32>
      %swap3A_199 = vector.shape_cast %mul3A_194 : vector<16xf32> to vector<1x16xf32>
      tpu.vector_store %arg17[%swap3A_195, %swap3A_196], %swap3A_199 {strides = array<i32>} : memref<128x128xf32, #tpu.memory_space<vmem>>, vector<1x16xf32>,
      %get3A_200 = arith.index_cast %scan3A_102 : i32 to index
      %get3A_201 = arith.constant 112 : index
      %get3A_202 = tpu.vector_load %arg17[%get3A_200, %get3A_201] {strides = array<i32>} : memref<128x128xf32, #tpu.memory_space<vmem>>, vector<1x16xf32>,
      %get3A_203 = vector.shape_cast %get3A_202 : vector<1x16xf32> to vector<16xf32>
      %get3A_204 = arith.index_cast %scan3A_102 : i32 to index
      %get3A_205 = arith.constant 112 : index
      %get3A_206 = tpu.vector_load %arg19[%get3A_204, %get3A_205] {strides = array<i32>} : memref<128x128xf32, #tpu.memory_space<vmem>>, vector<1x16xf32>,
      %get3A_207 = vector.shape_cast %get3A_206 : vector<1x16xf32> to vector<16xf32>
      %mul3A_208 = arith.mulf %get3A_203, %get3A_207 : vector<16xf32>
      %swap3A_209 = arith.index_cast %scan3A_102 : i32 to index
      %swap3A_210 = arith.constant 112 : index
      %swap3A_211 = tpu.vector_load %arg17[%swap3A_209, %swap3A_210] {strides = array<i32>} : memref<128x128xf32, #tpu.memory_space<vmem>>, vector<1x16xf32>,
      %swap3A_212 = vector.shape_cast %swap3A_211 : vector<1x16xf32> to vector<16xf32>
      %swap3A_213 = vector.shape_cast %mul3A_208 : vector<16xf32> to vector<1x16xf32>
      tpu.vector_store %arg17[%swap3A_209, %swap3A_210], %swap3A_213 {strides = array<i32>} : memref<128x128xf32, #tpu.memory_space<vmem>>, vector<1x16xf32>,
      %scan3A_214 = arith.constant 0 : i32
      scf.yield %scan3A_214 : i32
    }
    %scan3A_55 = arith.constant 128 : i32
    %dma_start3A_56 = arith.constant 0 : i32
    %dma_start3A_57 = tpu.memref_slice %arg8[%add3A_37, %dma_start3A_56] : memref<8192x128xf32, #tpu.memory_space<hbm>> -> memref<128x128xf32, #tpu.memory_space<hbm>>
    %dma_start3A_58 = arith.constant 0 : i32
    %dma_start3A_59 = tpu.memref_slice %arg8[%add3A_37, %dma_start3A_58] : memref<8192x128xf32, #tpu.memory_space<hbm>> -> memref<128x128xf32, #tpu.memory_space<hbm>>
    tpu.enqueue_dma source(%arg17 : memref<128x128xf32, #tpu.memory_space<vmem>>) target(%dma_start3A_59 : memref<128x128xf32, #tpu.memory_space<hbm>>) target_semaphore(%arg28 : memref<!tpu.dma_semaphore, #tpu.memory_space<semaphore_mem>>)
    %add3A_60 = arith.constant 128 : i32
    %add3A_61 = arith.addi %mul3A_2, %add3A_60 : i32
    %dma_wait3A_62 = arith.constant 0 : i32
    %dma_wait3A_63 = arith.constant 0 : i32
    %dma_wait3A_64 = tpu.memref_slice %arg2[%dma_wait3A_62, %dma_wait3A_63] : memref<1000000x128xf32, #tpu.memory_space<hbm>> -> memref<1000000x128xf32, #tpu.memory_space<hbm>>
    tpu.wait_indirect_dma semaphore(%arg22 : memref<!tpu.dma_semaphore, #tpu.memory_space<semaphore_mem>>) src(%dma_wait3A_64 : memref<1000000x128xf32, #tpu.memory_space<hbm>>) dst(%arg16 : memref<128x128xf32, #tpu.memory_space<vmem>>)
    %dma_start3A_65 = arith.constant 0 : i32
    %dma_start3A_66 = tpu.memref_slice %arg7[%add3A_61, %dma_start3A_65] : memref<8192x128xf32, #tpu.memory_space<hbm>> -> memref<128x128xf32, #tpu.memory_space<hbm>>
    %dma_start3A_67 = arith.constant 0 : i32
    %dma_start3A_68 = tpu.memref_slice %arg7[%add3A_61, %dma_start3A_67] : memref<8192x128xf32, #tpu.memory_space<hbm>> -> memref<128x128xf32, #tpu.memory_space<hbm>>
    tpu.enqueue_dma source(%arg16 : memref<128x128xf32, #tpu.memory_space<vmem>>) target(%dma_start3A_68 : memref<128x128xf32, #tpu.memory_space<hbm>>) target_semaphore(%arg27 : memref<!tpu.dma_semaphore, #tpu.memory_space<semaphore_mem>>)
    %dma_wait3A_69 = arith.constant 0 : i32
    %dma_wait3A_70 = arith.constant 0 : i32
    %dma_wait3A_71 = tpu.memref_slice %arg2[%dma_wait3A_69, %dma_wait3A_70] : memref<1000000x128xf32, #tpu.memory_space<hbm>> -> memref<1000000x128xf32, #tpu.memory_space<hbm>>
    tpu.wait_indirect_dma semaphore(%arg24 : memref<!tpu.dma_semaphore, #tpu.memory_space<semaphore_mem>>) src(%dma_wait3A_71 : memref<1000000x128xf32, #tpu.memory_space<hbm>>) dst(%arg18 : memref<128x128xf32, #tpu.memory_space<vmem>>)
    %dma_wait3A_72 = arith.constant 0 : i32
    %dma_wait3A_73 = arith.constant 0 : i32
    %dma_wait3A_74 = tpu.memref_slice %arg3[%dma_wait3A_72, %dma_wait3A_73] : memref<1000000x128xf32, #tpu.memory_space<hbm>> -> memref<1000000x128xf32, #tpu.memory_space<hbm>>
    tpu.wait_indirect_dma semaphore(%arg26 : memref<!tpu.dma_semaphore, #tpu.memory_space<semaphore_mem>>) src(%dma_wait3A_74 : memref<1000000x128xf32, #tpu.memory_space<hbm>>) dst(%arg20 : memref<128x128xf32, #tpu.memory_space<vmem>>)
    %scan3A_75 = arith.constant 0 : i32
    %scan3A_76 = arith.constant 0 : i32
    %scan3A_77 = arith.constant 128 : i32
    %scan3A_78 = arith.addi %scan3A_76, %scan3A_77 : i32
    %scan3A_79 = arith.constant 1 : i32
    %scan3A_80 = scf.for %scan3A_102 = %scan3A_76 to %scan3A_78 step %scan3A_79 iter_args(%scan3A_103 = %scan3A_75) -> (i32)  : i32 {
      %get3A = arith.index_cast %scan3A_102 : i32 to index
      %get3A_104 = arith.constant 0 : index
      %get3A_105 = tpu.vector_load %arg18[%get3A, %get3A_104] {strides = array<i32>} : memref<128x128xf32, #tpu.memory_space<vmem>>, vector<1x16xf32>,
      %get3A_106 = vector.shape_cast %get3A_105 : vector<1x16xf32> to vector<16xf32>
      %get3A_107 = arith.index_cast %scan3A_102 : i32 to index
      %get3A_108 = arith.constant 0 : index
      %get3A_109 = tpu.vector_load %arg20[%get3A_107, %get3A_108] {strides = array<i32>} : memref<128x128xf32, #tpu.memory_space<vmem>>, vector<1x16xf32>,
      %get3A_110 = vector.shape_cast %get3A_109 : vector<1x16xf32> to vector<16xf32>
      %mul3A_111 = arith.mulf %get3A_106, %get3A_110 : vector<16xf32>
      %swap3A = arith.index_cast %scan3A_102 : i32 to index
      %swap3A_112 = arith.constant 0 : index
      %swap3A_113 = tpu.vector_load %arg18[%swap3A, %swap3A_112] {strides = array<i32>} : memref<128x128xf32, #tpu.memory_space<vmem>>, vector<1x16xf32>,
      %swap3A_114 = vector.shape_cast %swap3A_113 : vector<1x16xf32> to vector<16xf32>
      %swap3A_115 = vector.shape_cast %mul3A_111 : vector<16xf32> to vector<1x16xf32>
      tpu.vector_store %arg18[%swap3A, %swap3A_112], %swap3A_115 {strides = array<i32>} : memref<128x128xf32, #tpu.memory_space<vmem>>, vector<1x16xf32>,
      %get3A_116 = arith.index_cast %scan3A_102 : i32 to index
      %get3A_117 = arith.constant 16 : index
      %get3A_118 = tpu.vector_load %arg18[%get3A_116, %get3A_117] {strides = array<i32>} : memref<128x128xf32, #tpu.memory_space<vmem>>, vector<1x16xf32>,
      %get3A_119 = vector.shape_cast %get3A_118 : vector<1x16xf32> to vector<16xf32>
      %get3A_120 = arith.index_cast %scan3A_102 : i32 to index
      %get3A_121 = arith.constant 16 : index
      %get3A_122 = tpu.vector_load %arg20[%get3A_120, %get3A_121] {strides = array<i32>} : memref<128x128xf32, #tpu.memory_space<vmem>>, vector<1x16xf32>,
      %get3A_123 = vector.shape_cast %get3A_122 : vector<1x16xf32> to vector<16xf32>
      %mul3A_124 = arith.mulf %get3A_119, %get3A_123 : vector<16xf32>
      %swap3A_125 = arith.index_cast %scan3A_102 : i32 to index
      %swap3A_126 = arith.constant 16 : index
      %swap3A_127 = tpu.vector_load %arg18[%swap3A_125, %swap3A_126] {strides = array<i32>} : memref<128x128xf32, #tpu.memory_space<vmem>>, vector<1x16xf32>,
      %swap3A_128 = vector.shape_cast %swap3A_127 : vector<1x16xf32> to vector<16xf32>
      %swap3A_129 = vector.shape_cast %mul3A_124 : vector<16xf32> to vector<1x16xf32>
      tpu.vector_store %arg18[%swap3A_125, %swap3A_126], %swap3A_129 {strides = array<i32>} : memref<128x128xf32, #tpu.memory_space<vmem>>, vector<1x16xf32>,
      %get3A_130 = arith.index_cast %scan3A_102 : i32 to index
      %get3A_131 = arith.constant 32 : index
      %get3A_132 = tpu.vector_load %arg18[%get3A_130, %get3A_131] {strides = array<i32>} : memref<128x128xf32, #tpu.memory_space<vmem>>, vector<1x16xf32>,
      %get3A_133 = vector.shape_cast %get3A_132 : vector<1x16xf32> to vector<16xf32>
      %get3A_134 = arith.index_cast %scan3A_102 : i32 to index
      %get3A_135 = arith.constant 32 : index
      %get3A_136 = tpu.vector_load %arg20[%get3A_134, %get3A_135] {strides = array<i32>} : memref<128x128xf32, #tpu.memory_space<vmem>>, vector<1x16xf32>,
      %get3A_137 = vector.shape_cast %get3A_136 : vector<1x16xf32> to vector<16xf32>
      %mul3A_138 = arith.mulf %get3A_133, %get3A_137 : vector<16xf32>
      %swap3A_139 = arith.index_cast %scan3A_102 : i32 to index
      %swap3A_140 = arith.constant 32 : index
      %swap3A_141 = tpu.vector_load %arg18[%swap3A_139, %swap3A_140] {strides = array<i32>} : memref<128x128xf32, #tpu.memory_space<vmem>>, vector<1x16xf32>,
      %swap3A_142 = vector.shape_cast %swap3A_141 : vector<1x16xf32> to vector<16xf32>
      %swap3A_143 = vector.shape_cast %mul3A_138 : vector<16xf32> to vector<1x16xf32>
      tpu.vector_store %arg18[%swap3A_139, %swap3A_140], %swap3A_143 {strides = array<i32>} : memref<128x128xf32, #tpu.memory_space<vmem>>, vector<1x16xf32>,
      %get3A_144 = arith.index_cast %scan3A_102 : i32 to index
      %get3A_145 = arith.constant 48 : index
      %get3A_146 = tpu.vector_load %arg18[%get3A_144, %get3A_145] {strides = array<i32>} : memref<128x128xf32, #tpu.memory_space<vmem>>, vector<1x16xf32>,
      %get3A_147 = vector.shape_cast %get3A_146 : vector<1x16xf32> to vector<16xf32>
      %get3A_148 = arith.index_cast %scan3A_102 : i32 to index
      %get3A_149 = arith.constant 48 : index
      %get3A_150 = tpu.vector_load %arg20[%get3A_148, %get3A_149] {strides = array<i32>} : memref<128x128xf32, #tpu.memory_space<vmem>>, vector<1x16xf32>,
      %get3A_151 = vector.shape_cast %get3A_150 : vector<1x16xf32> to vector<16xf32>
      %mul3A_152 = arith.mulf %get3A_147, %get3A_151 : vector<16xf32>
      %swap3A_153 = arith.index_cast %scan3A_102 : i32 to index
      %swap3A_154 = arith.constant 48 : index
      %swap3A_155 = tpu.vector_load %arg18[%swap3A_153, %swap3A_154] {strides = array<i32>} : memref<128x128xf32, #tpu.memory_space<vmem>>, vector<1x16xf32>,
      %swap3A_156 = vector.shape_cast %swap3A_155 : vector<1x16xf32> to vector<16xf32>
      %swap3A_157 = vector.shape_cast %mul3A_152 : vector<16xf32> to vector<1x16xf32>
      tpu.vector_store %arg18[%swap3A_153, %swap3A_154], %swap3A_157 {strides = array<i32>} : memref<128x128xf32, #tpu.memory_space<vmem>>, vector<1x16xf32>,
      %get3A_158 = arith.index_cast %scan3A_102 : i32 to index
      %get3A_159 = arith.constant 64 : index
      %get3A_160 = tpu.vector_load %arg18[%get3A_158, %get3A_159] {strides = array<i32>} : memref<128x128xf32, #tpu.memory_space<vmem>>, vector<1x16xf32>,
      %get3A_161 = vector.shape_cast %get3A_160 : vector<1x16xf32> to vector<16xf32>
      %get3A_162 = arith.index_cast %scan3A_102 : i32 to index
      %get3A_163 = arith.constant 64 : index
      %get3A_164 = tpu.vector_load %arg20[%get3A_162, %get3A_163] {strides = array<i32>} : memref<128x128xf32, #tpu.memory_space<vmem>>, vector<1x16xf32>,
      %get3A_165 = vector.shape_cast %get3A_164 : vector<1x16xf32> to vector<16xf32>
      %mul3A_166 = arith.mulf %get3A_161, %get3A_165 : vector<16xf32>
      %swap3A_167 = arith.index_cast %scan3A_102 : i32 to index
      %swap3A_168 = arith.constant 64 : index
      %swap3A_169 = tpu.vector_load %arg18[%swap3A_167, %swap3A_168] {strides = array<i32>} : memref<128x128xf32, #tpu.memory_space<vmem>>, vector<1x16xf32>,
      %swap3A_170 = vector.shape_cast %swap3A_169 : vector<1x16xf32> to vector<16xf32>
      %swap3A_171 = vector.shape_cast %mul3A_166 : vector<16xf32> to vector<1x16xf32>
      tpu.vector_store %arg18[%swap3A_167, %swap3A_168], %swap3A_171 {strides = array<i32>} : memref<128x128xf32, #tpu.memory_space<vmem>>, vector<1x16xf32>,
      %get3A_172 = arith.index_cast %scan3A_102 : i32 to index
      %get3A_173 = arith.constant 80 : index
      %get3A_174 = tpu.vector_load %arg18[%get3A_172, %get3A_173] {strides = array<i32>} : memref<128x128xf32, #tpu.memory_space<vmem>>, vector<1x16xf32>,
      %get3A_175 = vector.shape_cast %get3A_174 : vector<1x16xf32> to vector<16xf32>
      %get3A_176 = arith.index_cast %scan3A_102 : i32 to index
      %get3A_177 = arith.constant 80 : index
      %get3A_178 = tpu.vector_load %arg20[%get3A_176, %get3A_177] {strides = array<i32>} : memref<128x128xf32, #tpu.memory_space<vmem>>, vector<1x16xf32>,
      %get3A_179 = vector.shape_cast %get3A_178 : vector<1x16xf32> to vector<16xf32>
      %mul3A_180 = arith.mulf %get3A_175, %get3A_179 : vector<16xf32>
      %swap3A_181 = arith.index_cast %scan3A_102 : i32 to index
      %swap3A_182 = arith.constant 80 : index
      %swap3A_183 = tpu.vector_load %arg18[%swap3A_181, %swap3A_182] {strides = array<i32>} : memref<128x128xf32, #tpu.memory_space<vmem>>, vector<1x16xf32>,
      %swap3A_184 = vector.shape_cast %swap3A_183 : vector<1x16xf32> to vector<16xf32>
      %swap3A_185 = vector.shape_cast %mul3A_180 : vector<16xf32> to vector<1x16xf32>
      tpu.vector_store %arg18[%swap3A_181, %swap3A_182], %swap3A_185 {strides = array<i32>} : memref<128x128xf32, #tpu.memory_space<vmem>>, vector<1x16xf32>,
      %get3A_186 = arith.index_cast %scan3A_102 : i32 to index
      %get3A_187 = arith.constant 96 : index
      %get3A_188 = tpu.vector_load %arg18[%get3A_186, %get3A_187] {strides = array<i32>} : memref<128x128xf32, #tpu.memory_space<vmem>>, vector<1x16xf32>,
      %get3A_189 = vector.shape_cast %get3A_188 : vector<1x16xf32> to vector<16xf32>
      %get3A_190 = arith.index_cast %scan3A_102 : i32 to index
      %get3A_191 = arith.constant 96 : index
      %get3A_192 = tpu.vector_load %arg20[%get3A_190, %get3A_191] {strides = array<i32>} : memref<128x128xf32, #tpu.memory_space<vmem>>, vector<1x16xf32>,
      %get3A_193 = vector.shape_cast %get3A_192 : vector<1x16xf32> to vector<16xf32>
      %mul3A_194 = arith.mulf %get3A_189, %get3A_193 : vector<16xf32>
      %swap3A_195 = arith.index_cast %scan3A_102 : i32 to index
      %swap3A_196 = arith.constant 96 : index
      %swap3A_197 = tpu.vector_load %arg18[%swap3A_195, %swap3A_196] {strides = array<i32>} : memref<128x128xf32, #tpu.memory_space<vmem>>, vector<1x16xf32>,
      %swap3A_198 = vector.shape_cast %swap3A_197 : vector<1x16xf32> to vector<16xf32>
      %swap3A_199 = vector.shape_cast %mul3A_194 : vector<16xf32> to vector<1x16xf32>
      tpu.vector_store %arg18[%swap3A_195, %swap3A_196], %swap3A_199 {strides = array<i32>} : memref<128x128xf32, #tpu.memory_space<vmem>>, vector<1x16xf32>,
      %get3A_200 = arith.index_cast %scan3A_102 : i32 to index
      %get3A_201 = arith.constant 112 : index
      %get3A_202 = tpu.vector_load %arg18[%get3A_200, %get3A_201] {strides = array<i32>} : memref<128x128xf32, #tpu.memory_space<vmem>>, vector<1x16xf32>,
      %get3A_203 = vector.shape_cast %get3A_202 : vector<1x16xf32> to vector<16xf32>
      %get3A_204 = arith.index_cast %scan3A_102 : i32 to index
      %get3A_205 = arith.constant 112 : index
      %get3A_206 = tpu.vector_load %arg20[%get3A_204, %get3A_205] {strides = array<i32>} : memref<128x128xf32, #tpu.memory_space<vmem>>, vector<1x16xf32>,
      %get3A_207 = vector.shape_cast %get3A_206 : vector<1x16xf32> to vector<16xf32>
      %mul3A_208 = arith.mulf %get3A_203, %get3A_207 : vector<16xf32>
      %swap3A_209 = arith.index_cast %scan3A_102 : i32 to index
      %swap3A_210 = arith.constant 112 : index
      %swap3A_211 = tpu.vector_load %arg18[%swap3A_209, %swap3A_210] {strides = array<i32>} : memref<128x128xf32, #tpu.memory_space<vmem>>, vector<1x16xf32>,
      %swap3A_212 = vector.shape_cast %swap3A_211 : vector<1x16xf32> to vector<16xf32>
      %swap3A_213 = vector.shape_cast %mul3A_208 : vector<16xf32> to vector<1x16xf32>
      tpu.vector_store %arg18[%swap3A_209, %swap3A_210], %swap3A_213 {strides = array<i32>} : memref<128x128xf32, #tpu.memory_space<vmem>>, vector<1x16xf32>,
      %scan3A_214 = arith.constant 0 : i32
      scf.yield %scan3A_214 : i32
    }
    %scan3A_81 = arith.constant 128 : i32
    %dma_start3A_82 = arith.constant 0 : i32
    %dma_start3A_83 = tpu.memref_slice %arg8[%add3A_61, %dma_start3A_82] : memref<8192x128xf32, #tpu.memory_space<hbm>> -> memref<128x128xf32, #tpu.memory_space<hbm>>
    %dma_start3A_84 = arith.constant 0 : i32
    %dma_start3A_85 = tpu.memref_slice %arg8[%add3A_61, %dma_start3A_84] : memref<8192x128xf32, #tpu.memory_space<hbm>> -> memref<128x128xf32, #tpu.memory_space<hbm>>
    tpu.enqueue_dma source(%arg18 : memref<128x128xf32, #tpu.memory_space<vmem>>) target(%dma_start3A_85 : memref<128x128xf32, #tpu.memory_space<hbm>>) target_semaphore(%arg28 : memref<!tpu.dma_semaphore, #tpu.memory_space<semaphore_mem>>)
    %dma_wait3A_86 = arith.constant 0 : i32
    %dma_wait3A_87 = tpu.memref_slice %arg7[%add3A_37, %dma_wait3A_86] : memref<8192x128xf32, #tpu.memory_space<hbm>> -> memref<128x128xf32, #tpu.memory_space<hbm>>
    %dma_wait3A_88 = arith.constant 0 : i32
    %dma_wait3A_89 = tpu.memref_slice %arg7[%add3A_37, %dma_wait3A_88] : memref<8192x128xf32, #tpu.memory_space<hbm>> -> memref<128x128xf32, #tpu.memory_space<hbm>>
    tpu.wait_dma2 semaphore(%arg27 : memref<!tpu.dma_semaphore, #tpu.memory_space<semaphore_mem>>) src(%arg15 : memref<128x128xf32, #tpu.memory_space<vmem>>) dst(%dma_wait3A_89 : memref<128x128xf32, #tpu.memory_space<hbm>>)
    %dma_wait3A_90 = arith.constant 0 : i32
    %dma_wait3A_91 = tpu.memref_slice %arg8[%add3A_37, %dma_wait3A_90] : memref<8192x128xf32, #tpu.memory_space<hbm>> -> memref<128x128xf32, #tpu.memory_space<hbm>>
    %dma_wait3A_92 = arith.constant 0 : i32
    %dma_wait3A_93 = tpu.memref_slice %arg8[%add3A_37, %dma_wait3A_92] : memref<8192x128xf32, #tpu.memory_space<hbm>> -> memref<128x128xf32, #tpu.memory_space<hbm>>
    tpu.wait_dma2 semaphore(%arg28 : memref<!tpu.dma_semaphore, #tpu.memory_space<semaphore_mem>>) src(%arg17 : memref<128x128xf32, #tpu.memory_space<vmem>>) dst(%dma_wait3A_93 : memref<128x128xf32, #tpu.memory_space<hbm>>)
    %dma_wait3A_94 = arith.constant 0 : i32
    %dma_wait3A_95 = tpu.memref_slice %arg7[%add3A_61, %dma_wait3A_94] : memref<8192x128xf32, #tpu.memory_space<hbm>> -> memref<128x128xf32, #tpu.memory_space<hbm>>
    %dma_wait3A_96 = arith.constant 0 : i32
    %dma_wait3A_97 = tpu.memref_slice %arg7[%add3A_61, %dma_wait3A_96] : memref<8192x128xf32, #tpu.memory_space<hbm>> -> memref<128x128xf32, #tpu.memory_space<hbm>>
    tpu.wait_dma2 semaphore(%arg27 : memref<!tpu.dma_semaphore, #tpu.memory_space<semaphore_mem>>) src(%arg16 : memref<128x128xf32, #tpu.memory_space<vmem>>) dst(%dma_wait3A_97 : memref<128x128xf32, #tpu.memory_space<hbm>>)
    %dma_wait3A_98 = arith.constant 0 : i32
    %dma_wait3A_99 = tpu.memref_slice %arg8[%add3A_61, %dma_wait3A_98] : memref<8192x128xf32, #tpu.memory_space<hbm>> -> memref<128x128xf32, #tpu.memory_space<hbm>>
    %dma_wait3A_100 = arith.constant 0 : i32
    %dma_wait3A_101 = tpu.memref_slice %arg8[%add3A_61, %dma_wait3A_100] : memref<8192x128xf32, #tpu.memory_space<hbm>> -> memref<128x128xf32, #tpu.memory_space<hbm>>
    tpu.wait_dma2 semaphore(%arg28 : memref<!tpu.dma_semaphore, #tpu.memory_space<semaphore_mem>>) src(%arg18 : memref<128x128xf32, #tpu.memory_space<vmem>>) dst(%dma_wait3A_101 : memref<128x128xf32, #tpu.memory_space<hbm>>)
    return
  }
}

#map = affine_map<(d0, d1) -> (0, 0)>
#map1 = affine_map<(d0, d1) -> (0)>
module attributes {stable_mosaic.version = 14 : i64} {
  func.func @gather_k(%arg0: i32, %arg1: i32, %arg2: memref<1000000x128xf32, #tpu.memory_space<hbm>>, %arg3: memref<1000000x128xf32, #tpu.memory_space<hbm>>, %arg4: memref<16384xi32, #tpu.memory_space<hbm>>, %arg5: memref<16384xi32, #tpu.memory_space<hbm>>, %arg6: memref<16384xi32, #tpu.memory_space<hbm>>, %arg7: memref<8192x128xf32, #tpu.memory_space<hbm>>, %arg8: memref<8192x128xf32, #tpu.memory_space<hbm>>, %arg9: memref<128xi32, #tpu.memory_space<vmem>>, %arg10: memref<128xi32, #tpu.memory_space<vmem>>, %arg11: memref<128xi32, #tpu.memory_space<vmem>>, %arg12: memref<128xi32, #tpu.memory_space<vmem>>, %arg13: memref<128xi32, #tpu.memory_space<vmem>>, %arg14: memref<128xi32, #tpu.memory_space<vmem>>, %arg15: memref<128x128xf32, #tpu.memory_space<vmem>>, %arg16: memref<128x128xf32, #tpu.memory_space<vmem>>, %arg17: memref<128x128xf32, #tpu.memory_space<vmem>>, %arg18: memref<128x128xf32, #tpu.memory_space<vmem>>, %arg19: memref<128x128xf32, #tpu.memory_space<vmem>>, %arg20: memref<128x128xf32, #tpu.memory_space<vmem>>, %arg21: memref<!tpu.dma_semaphore, #tpu.memory_space<semaphore_mem>>, %arg22: memref<!tpu.dma_semaphore, #tpu.memory_space<semaphore_mem>>, %arg23: memref<!tpu.dma_semaphore, #tpu.memory_space<semaphore_mem>>, %arg24: memref<!tpu.dma_semaphore, #tpu.memory_space<semaphore_mem>>, %arg25: memref<!tpu.dma_semaphore, #tpu.memory_space<semaphore_mem>>, %arg26: memref<!tpu.dma_semaphore, #tpu.memory_space<semaphore_mem>>, %arg27: memref<!tpu.dma_semaphore, #tpu.memory_space<semaphore_mem>>, %arg28: memref<!tpu.dma_semaphore, #tpu.memory_space<semaphore_mem>>) attributes {dimension_semantics = [#tpu.dimension_semantics<core_parallel>, #tpu.dimension_semantics<subcore_parallel>], iteration_bounds = array<i64: 2, 16>, scalar_prefetch = 0 : i64, scratch_operands = 20 : i64, tpu.core_type = #tpu.core_type<sc_vector_subcore>, window_params = [{transform_indices = #map}, {transform_indices = #map}, {transform_indices = #map1}, {transform_indices = #map1}, {transform_indices = #map1}, {transform_indices = #map}, {transform_indices = #map}]} {
    %mul3A = arith.constant 2 : i32
    %mul3A_0 = arith.muli %arg1, %mul3A : i32
    %add3A = arith.addi %mul3A_0, %arg0 : i32
    %mul3A_1 = arith.constant 256 : i32
    %mul3A_2 = arith.muli %add3A, %mul3A_1 : i32
    %add3A_3 = arith.constant 0 : i32
    %add3A_4 = arith.addi %mul3A_2, %add3A_3 : i32
    %add3A_5 = arith.constant 0 : i32
    %add3A_6 = arith.addi %add3A_5, %add3A_4 : i32
    "tpu.region"() ({
      %run_scoped3A = tpu.sem_alloc : memref<!tpu.dma_semaphore, #tpu.memory_space<semaphore_mem>>
      %dma_start3A_102 = tpu.memref_slice %arg4[%add3A_6] : memref<16384xi32, #tpu.memory_space<hbm>> -> memref<128xi32, #tpu.memory_space<hbm>>
      %dma_start3A_103 = tpu.memref_slice %arg4[%add3A_6] : memref<16384xi32, #tpu.memory_space<hbm>> -> memref<128xi32, #tpu.memory_space<hbm>>
      tpu.enqueue_dma source(%dma_start3A_103 : memref<128xi32, #tpu.memory_space<hbm>>) target(%arg9 : memref<128xi32, #tpu.memory_space<vmem>>) target_semaphore(%run_scoped3A : memref<!tpu.dma_semaphore, #tpu.memory_space<semaphore_mem>>)
      %dma_wait3A_104 = tpu.memref_slice %arg4[%add3A_6] : memref<16384xi32, #tpu.memory_space<hbm>> -> memref<128xi32, #tpu.memory_space<hbm>>
      %dma_wait3A_105 = tpu.memref_slice %arg4[%add3A_6] : memref<16384xi32, #tpu.memory_space<hbm>> -> memref<128xi32, #tpu.memory_space<hbm>>
      tpu.wait_dma2 semaphore(%run_scoped3A : memref<!tpu.dma_semaphore, #tpu.memory_space<semaphore_mem>>) src(%dma_wait3A_105 : memref<128xi32, #tpu.memory_space<hbm>>) dst(%arg9 : memref<128xi32, #tpu.memory_space<vmem>>)
      tpu.yield
    }) : () -> ()
    %add3A_7 = arith.constant 0 : i32
    %add3A_8 = arith.addi %add3A_7, %add3A_4 : i32
    "tpu.region"() ({
      %run_scoped3A = tpu.sem_alloc : memref<!tpu.dma_semaphore, #tpu.memory_space<semaphore_mem>>
      %dma_start3A_102 = tpu.memref_slice %arg5[%add3A_8] : memref<16384xi32, #tpu.memory_space<hbm>> -> memref<128xi32, #tpu.memory_space<hbm>>
      %dma_start3A_103 = tpu.memref_slice %arg5[%add3A_8] : memref<16384xi32, #tpu.memory_space<hbm>> -> memref<128xi32, #tpu.memory_space<hbm>>
      tpu.enqueue_dma source(%dma_start3A_103 : memref<128xi32, #tpu.memory_space<hbm>>) target(%arg11 : memref<128xi32, #tpu.memory_space<vmem>>) target_semaphore(%run_scoped3A : memref<!tpu.dma_semaphore, #tpu.memory_space<semaphore_mem>>)
      %dma_wait3A_104 = tpu.memref_slice %arg5[%add3A_8] : memref<16384xi32, #tpu.memory_space<hbm>> -> memref<128xi32, #tpu.memory_space<hbm>>
      %dma_wait3A_105 = tpu.memref_slice %arg5[%add3A_8] : memref<16384xi32, #tpu.memory_space<hbm>> -> memref<128xi32, #tpu.memory_space<hbm>>
      tpu.wait_dma2 semaphore(%run_scoped3A : memref<!tpu.dma_semaphore, #tpu.memory_space<semaphore_mem>>) src(%dma_wait3A_105 : memref<128xi32, #tpu.memory_space<hbm>>) dst(%arg11 : memref<128xi32, #tpu.memory_space<vmem>>)
      tpu.yield
    }) : () -> ()
    %add3A_9 = arith.constant 0 : i32
    %add3A_10 = arith.addi %add3A_9, %add3A_4 : i32
    "tpu.region"() ({
      %run_scoped3A = tpu.sem_alloc : memref<!tpu.dma_semaphore, #tpu.memory_space<semaphore_mem>>
      %dma_start3A_102 = tpu.memref_slice %arg6[%add3A_10] : memref<16384xi32, #tpu.memory_space<hbm>> -> memref<128xi32, #tpu.memory_space<hbm>>
      %dma_start3A_103 = tpu.memref_slice %arg6[%add3A_10] : memref<16384xi32, #tpu.memory_space<hbm>> -> memref<128xi32, #tpu.memory_space<hbm>>
      tpu.enqueue_dma source(%dma_start3A_103 : memref<128xi32, #tpu.memory_space<hbm>>) target(%arg13 : memref<128xi32, #tpu.memory_space<vmem>>) target_semaphore(%run_scoped3A : memref<!tpu.dma_semaphore, #tpu.memory_space<semaphore_mem>>)
      %dma_wait3A_104 = tpu.memref_slice %arg6[%add3A_10] : memref<16384xi32, #tpu.memory_space<hbm>> -> memref<128xi32, #tpu.memory_space<hbm>>
      %dma_wait3A_105 = tpu.memref_slice %arg6[%add3A_10] : memref<16384xi32, #tpu.memory_space<hbm>> -> memref<128xi32, #tpu.memory_space<hbm>>
      tpu.wait_dma2 semaphore(%run_scoped3A : memref<!tpu.dma_semaphore, #tpu.memory_space<semaphore_mem>>) src(%dma_wait3A_105 : memref<128xi32, #tpu.memory_space<hbm>>) dst(%arg13 : memref<128xi32, #tpu.memory_space<vmem>>)
      tpu.yield
    }) : () -> ()
    %dma_start3A = arith.constant 0 : i32
    %dma_start3A_11 = arith.constant 0 : i32
    %dma_start3A_12 = tpu.memref_slice %arg2[%dma_start3A, %dma_start3A_11] : memref<1000000x128xf32, #tpu.memory_space<hbm>> -> memref<1000000x128xf32, #tpu.memory_space<hbm>>
    tpu.enqueue_indirect_dma source(%dma_start3A_12 : memref<1000000x128xf32, #tpu.memory_space<hbm>>) target(%arg15 : memref<128x128xf32, #tpu.memory_space<vmem>>) offsets(%arg9 : memref<128xi32, #tpu.memory_space<vmem>>) semaphore(%arg21 : memref<!tpu.dma_semaphore, #tpu.memory_space<semaphore_mem>>)
    %dma_start3A_13 = arith.constant 0 : i32
    %dma_start3A_14 = arith.constant 0 : i32
    %dma_start3A_15 = tpu.memref_slice %arg2[%dma_start3A_13, %dma_start3A_14] : memref<1000000x128xf32, #tpu.memory_space<hbm>> -> memref<1000000x128xf32, #tpu.memory_space<hbm>>
    tpu.enqueue_indirect_dma source(%dma_start3A_15 : memref<1000000x128xf32, #tpu.memory_space<hbm>>) target(%arg17 : memref<128x128xf32, #tpu.memory_space<vmem>>) offsets(%arg11 : memref<128xi32, #tpu.memory_space<vmem>>) semaphore(%arg23 : memref<!tpu.dma_semaphore, #tpu.memory_space<semaphore_mem>>)
    %dma_start3A_16 = arith.constant 0 : i32
    %dma_start3A_17 = arith.constant 0 : i32
    %dma_start3A_18 = tpu.memref_slice %arg3[%dma_start3A_16, %dma_start3A_17] : memref<1000000x128xf32, #tpu.memory_space<hbm>> -> memref<1000000x128xf32, #tpu.memory_space<hbm>>
    tpu.enqueue_indirect_dma source(%dma_start3A_18 : memref<1000000x128xf32, #tpu.memory_space<hbm>>) target(%arg19 : memref<128x128xf32, #tpu.memory_space<vmem>>) offsets(%arg13 : memref<128xi32, #tpu.memory_space<vmem>>) semaphore(%arg25 : memref<!tpu.dma_semaphore, #tpu.memory_space<semaphore_mem>>)
    %add3A_19 = arith.constant 128 : i32
    %add3A_20 = arith.addi %mul3A_2, %add3A_19 : i32
    %add3A_21 = arith.constant 0 : i32
    %add3A_22 = arith.addi %add3A_21, %add3A_20 : i32
    "tpu.region"() ({
      %run_scoped3A = tpu.sem_alloc : memref<!tpu.dma_semaphore, #tpu.memory_space<semaphore_mem>>
      %dma_start3A_102 = tpu.memref_slice %arg4[%add3A_22] : memref<16384xi32, #tpu.memory_space<hbm>> -> memref<128xi32, #tpu.memory_space<hbm>>
      %dma_start3A_103 = tpu.memref_slice %arg4[%add3A_22] : memref<16384xi32, #tpu.memory_space<hbm>> -> memref<128xi32, #tpu.memory_space<hbm>>
      tpu.enqueue_dma source(%dma_start3A_103 : memref<128xi32, #tpu.memory_space<hbm>>) target(%arg10 : memref<128xi32, #tpu.memory_space<vmem>>) target_semaphore(%run_scoped3A : memref<!tpu.dma_semaphore, #tpu.memory_space<semaphore_mem>>)
      %dma_wait3A_104 = tpu.memref_slice %arg4[%add3A_22] : memref<16384xi32, #tpu.memory_space<hbm>> -> memref<128xi32, #tpu.memory_space<hbm>>
      %dma_wait3A_105 = tpu.memref_slice %arg4[%add3A_22] : memref<16384xi32, #tpu.memory_space<hbm>> -> memref<128xi32, #tpu.memory_space<hbm>>
      tpu.wait_dma2 semaphore(%run_scoped3A : memref<!tpu.dma_semaphore, #tpu.memory_space<semaphore_mem>>) src(%dma_wait3A_105 : memref<128xi32, #tpu.memory_space<hbm>>) dst(%arg10 : memref<128xi32, #tpu.memory_space<vmem>>)
      tpu.yield
    }) : () -> ()
    %add3A_23 = arith.constant 0 : i32
    %add3A_24 = arith.addi %add3A_23, %add3A_20 : i32
    "tpu.region"() ({
      %run_scoped3A = tpu.sem_alloc : memref<!tpu.dma_semaphore, #tpu.memory_space<semaphore_mem>>
      %dma_start3A_102 = tpu.memref_slice %arg5[%add3A_24] : memref<16384xi32, #tpu.memory_space<hbm>> -> memref<128xi32, #tpu.memory_space<hbm>>
      %dma_start3A_103 = tpu.memref_slice %arg5[%add3A_24] : memref<16384xi32, #tpu.memory_space<hbm>> -> memref<128xi32, #tpu.memory_space<hbm>>
      tpu.enqueue_dma source(%dma_start3A_103 : memref<128xi32, #tpu.memory_space<hbm>>) target(%arg12 : memref<128xi32, #tpu.memory_space<vmem>>) target_semaphore(%run_scoped3A : memref<!tpu.dma_semaphore, #tpu.memory_space<semaphore_mem>>)
      %dma_wait3A_104 = tpu.memref_slice %arg5[%add3A_24] : memref<16384xi32, #tpu.memory_space<hbm>> -> memref<128xi32, #tpu.memory_space<hbm>>
      %dma_wait3A_105 = tpu.memref_slice %arg5[%add3A_24] : memref<16384xi32, #tpu.memory_space<hbm>> -> memref<128xi32, #tpu.memory_space<hbm>>
      tpu.wait_dma2 semaphore(%run_scoped3A : memref<!tpu.dma_semaphore, #tpu.memory_space<semaphore_mem>>) src(%dma_wait3A_105 : memref<128xi32, #tpu.memory_space<hbm>>) dst(%arg12 : memref<128xi32, #tpu.memory_space<vmem>>)
      tpu.yield
    }) : () -> ()
    %add3A_25 = arith.constant 0 : i32
    %add3A_26 = arith.addi %add3A_25, %add3A_20 : i32
    "tpu.region"() ({
      %run_scoped3A = tpu.sem_alloc : memref<!tpu.dma_semaphore, #tpu.memory_space<semaphore_mem>>
      %dma_start3A_102 = tpu.memref_slice %arg6[%add3A_26] : memref<16384xi32, #tpu.memory_space<hbm>> -> memref<128xi32, #tpu.memory_space<hbm>>
      %dma_start3A_103 = tpu.memref_slice %arg6[%add3A_26] : memref<16384xi32, #tpu.memory_space<hbm>> -> memref<128xi32, #tpu.memory_space<hbm>>
      tpu.enqueue_dma source(%dma_start3A_103 : memref<128xi32, #tpu.memory_space<hbm>>) target(%arg14 : memref<128xi32, #tpu.memory_space<vmem>>) target_semaphore(%run_scoped3A : memref<!tpu.dma_semaphore, #tpu.memory_space<semaphore_mem>>)
      %dma_wait3A_104 = tpu.memref_slice %arg6[%add3A_26] : memref<16384xi32, #tpu.memory_space<hbm>> -> memref<128xi32, #tpu.memory_space<hbm>>
      %dma_wait3A_105 = tpu.memref_slice %arg6[%add3A_26] : memref<16384xi32, #tpu.memory_space<hbm>> -> memref<128xi32, #tpu.memory_space<hbm>>
      tpu.wait_dma2 semaphore(%run_scoped3A : memref<!tpu.dma_semaphore, #tpu.memory_space<semaphore_mem>>) src(%dma_wait3A_105 : memref<128xi32, #tpu.memory_space<hbm>>) dst(%arg14 : memref<128xi32, #tpu.memory_space<vmem>>)
      tpu.yield
    }) : () -> ()
    %dma_start3A_27 = arith.constant 0 : i32
    %dma_start3A_28 = arith.constant 0 : i32
    %dma_start3A_29 = tpu.memref_slice %arg2[%dma_start3A_27, %dma_start3A_28] : memref<1000000x128xf32, #tpu.memory_space<hbm>> -> memref<1000000x128xf32, #tpu.memory_space<hbm>>
    tpu.enqueue_indirect_dma source(%dma_start3A_29 : memref<1000000x128xf32, #tpu.memory_space<hbm>>) target(%arg16 : memref<128x128xf32, #tpu.memory_space<vmem>>) offsets(%arg10 : memref<128xi32, #tpu.memory_space<vmem>>) semaphore(%arg22 : memref<!tpu.dma_semaphore, #tpu.memory_space<semaphore_mem>>)
    %dma_start3A_30 = arith.constant 0 : i32
    %dma_start3A_31 = arith.constant 0 : i32
    %dma_start3A_32 = tpu.memref_slice %arg2[%dma_start3A_30, %dma_start3A_31] : memref<1000000x128xf32, #tpu.memory_space<hbm>> -> memref<1000000x128xf32, #tpu.memory_space<hbm>>
    tpu.enqueue_indirect_dma source(%dma_start3A_32 : memref<1000000x128xf32, #tpu.memory_space<hbm>>) target(%arg18 : memref<128x128xf32, #tpu.memory_space<vmem>>) offsets(%arg12 : memref<128xi32, #tpu.memory_space<vmem>>) semaphore(%arg24 : memref<!tpu.dma_semaphore, #tpu.memory_space<semaphore_mem>>)
    %dma_start3A_33 = arith.constant 0 : i32
    %dma_start3A_34 = arith.constant 0 : i32
    %dma_start3A_35 = tpu.memref_slice %arg3[%dma_start3A_33, %dma_start3A_34] : memref<1000000x128xf32, #tpu.memory_space<hbm>> -> memref<1000000x128xf32, #tpu.memory_space<hbm>>
    tpu.enqueue_indirect_dma source(%dma_start3A_35 : memref<1000000x128xf32, #tpu.memory_space<hbm>>) target(%arg20 : memref<128x128xf32, #tpu.memory_space<vmem>>) offsets(%arg14 : memref<128xi32, #tpu.memory_space<vmem>>) semaphore(%arg26 : memref<!tpu.dma_semaphore, #tpu.memory_space<semaphore_mem>>)
    %add3A_36 = arith.constant 0 : i32
    %add3A_37 = arith.addi %mul3A_2, %add3A_36 : i32
    %dma_wait3A = arith.constant 0 : i32
    %dma_wait3A_38 = arith.constant 0 : i32
    %dma_wait3A_39 = tpu.memref_slice %arg2[%dma_wait3A, %dma_wait3A_38] : memref<1000000x128xf32, #tpu.memory_space<hbm>> -> memref<1000000x128xf32, #tpu.memory_space<hbm>>
    tpu.wait_indirect_dma semaphore(%arg21 : memref<!tpu.dma_semaphore, #tpu.memory_space<semaphore_mem>>) src(%dma_wait3A_39 : memref<1000000x128xf32, #tpu.memory_space<hbm>>) dst(%arg15 : memref<128x128xf32, #tpu.memory_space<vmem>>)
    %dma_start3A_40 = arith.constant 0 : i32
    %dma_start3A_41 = tpu.memref_slice %arg7[%add3A_37, %dma_start3A_40] : memref<8192x128xf32, #tpu.memory_space<hbm>> -> memref<128x128xf32, #tpu.memory_space<hbm>>
    %dma_start3A_42 = arith.constant 0 : i32
    %dma_start3A_43 = tpu.memref_slice %arg7[%add3A_37, %dma_start3A_42] : memref<8192x128xf32, #tpu.memory_space<hbm>> -> memref<128x128xf32, #tpu.memory_space<hbm>>
    tpu.enqueue_dma source(%arg15 : memref<128x128xf32, #tpu.memory_space<vmem>>) target(%dma_start3A_43 : memref<128x128xf32, #tpu.memory_space<hbm>>) target_semaphore(%arg27 : memref<!tpu.dma_semaphore, #tpu.memory_space<semaphore_mem>>)
    %dma_wait3A_44 = arith.constant 0 : i32
    %dma_wait3A_45 = arith.constant 0 : i32
    %dma_wait3A_46 = tpu.memref_slice %arg2[%dma_wait3A_44, %dma_wait3A_45] : memref<1000000x128xf32, #tpu.memory_space<hbm>> -> memref<1000000x128xf32, #tpu.memory_space<hbm>>
    tpu.wait_indirect_dma semaphore(%arg23 : memref<!tpu.dma_semaphore, #tpu.memory_space<semaphore_mem>>) src(%dma_wait3A_46 : memref<1000000x128xf32, #tpu.memory_space<hbm>>) dst(%arg17 : memref<128x128xf32, #tpu.memory_space<vmem>>)
    %dma_wait3A_47 = arith.constant 0 : i32
    %dma_wait3A_48 = arith.constant 0 : i32
    %dma_wait3A_49 = tpu.memref_slice %arg3[%dma_wait3A_47, %dma_wait3A_48] : memref<1000000x128xf32, #tpu.memory_space<hbm>> -> memref<1000000x128xf32, #tpu.memory_space<hbm>>
    tpu.wait_indirect_dma semaphore(%arg25 : memref<!tpu.dma_semaphore, #tpu.memory_space<semaphore_mem>>) src(%dma_wait3A_49 : memref<1000000x128xf32, #tpu.memory_space<hbm>>) dst(%arg19 : memref<128x128xf32, #tpu.memory_space<vmem>>)
    %scan3A = arith.constant 0 : i32
    %scan3A_50 = arith.constant 0 : i32
    %scan3A_51 = arith.constant 128 : i32
    %scan3A_52 = arith.addi %scan3A_50, %scan3A_51 : i32
    %scan3A_53 = arith.constant 1 : i32
    %scan3A_54 = scf.for %scan3A_102 = %scan3A_50 to %scan3A_52 step %scan3A_53 iter_args(%scan3A_103 = %scan3A) -> (i32)  : i32 {
      %get3A = arith.index_cast %scan3A_102 : i32 to index
      %get3A_104 = arith.constant 0 : index
      %get3A_105 = tpu.vector_load %arg17[%get3A, %get3A_104] {strides = array<i32>} : memref<128x128xf32, #tpu.memory_space<vmem>>, vector<1x16xf32>,
      %get3A_106 = vector.shape_cast %get3A_105 : vector<1x16xf32> to vector<16xf32>
      %get3A_107 = arith.index_cast %scan3A_102 : i32 to index
      %get3A_108 = arith.constant 0 : index
      %get3A_109 = tpu.vector_load %arg19[%get3A_107, %get3A_108] {strides = array<i32>} : memref<128x128xf32, #tpu.memory_space<vmem>>, vector<1x16xf32>,
      %get3A_110 = vector.shape_cast %get3A_109 : vector<1x16xf32> to vector<16xf32>
      %mul3A_111 = arith.mulf %get3A_106, %get3A_110 : vector<16xf32>
      %swap3A = arith.index_cast %scan3A_102 : i32 to index
      %swap3A_112 = arith.constant 0 : index
      %swap3A_113 = tpu.vector_load %arg17[%swap3A, %swap3A_112] {strides = array<i32>} : memref<128x128xf32, #tpu.memory_space<vmem>>, vector<1x16xf32>,
      %swap3A_114 = vector.shape_cast %swap3A_113 : vector<1x16xf32> to vector<16xf32>
      %swap3A_115 = vector.shape_cast %mul3A_111 : vector<16xf32> to vector<1x16xf32>
      tpu.vector_store %arg17[%swap3A, %swap3A_112], %swap3A_115 {strides = array<i32>} : memref<128x128xf32, #tpu.memory_space<vmem>>, vector<1x16xf32>,
      %get3A_116 = arith.index_cast %scan3A_102 : i32 to index
      %get3A_117 = arith.constant 16 : index
      %get3A_118 = tpu.vector_load %arg17[%get3A_116, %get3A_117] {strides = array<i32>} : memref<128x128xf32, #tpu.memory_space<vmem>>, vector<1x16xf32>,
      %get3A_119 = vector.shape_cast %get3A_118 : vector<1x16xf32> to vector<16xf32>
      %get3A_120 = arith.index_cast %scan3A_102 : i32 to index
      %get3A_121 = arith.constant 16 : index
      %get3A_122 = tpu.vector_load %arg19[%get3A_120, %get3A_121] {strides = array<i32>} : memref<128x128xf32, #tpu.memory_space<vmem>>, vector<1x16xf32>,
      %get3A_123 = vector.shape_cast %get3A_122 : vector<1x16xf32> to vector<16xf32>
      %mul3A_124 = arith.mulf %get3A_119, %get3A_123 : vector<16xf32>
      %swap3A_125 = arith.index_cast %scan3A_102 : i32 to index
      %swap3A_126 = arith.constant 16 : index
      %swap3A_127 = tpu.vector_load %arg17[%swap3A_125, %swap3A_126] {strides = array<i32>} : memref<128x128xf32, #tpu.memory_space<vmem>>, vector<1x16xf32>,
      %swap3A_128 = vector.shape_cast %swap3A_127 : vector<1x16xf32> to vector<16xf32>
      %swap3A_129 = vector.shape_cast %mul3A_124 : vector<16xf32> to vector<1x16xf32>
      tpu.vector_store %arg17[%swap3A_125, %swap3A_126], %swap3A_129 {strides = array<i32>} : memref<128x128xf32, #tpu.memory_space<vmem>>, vector<1x16xf32>,
      %get3A_130 = arith.index_cast %scan3A_102 : i32 to index
      %get3A_131 = arith.constant 32 : index
      %get3A_132 = tpu.vector_load %arg17[%get3A_130, %get3A_131] {strides = array<i32>} : memref<128x128xf32, #tpu.memory_space<vmem>>, vector<1x16xf32>,
      %get3A_133 = vector.shape_cast %get3A_132 : vector<1x16xf32> to vector<16xf32>
      %get3A_134 = arith.index_cast %scan3A_102 : i32 to index
      %get3A_135 = arith.constant 32 : index
      %get3A_136 = tpu.vector_load %arg19[%get3A_134, %get3A_135] {strides = array<i32>} : memref<128x128xf32, #tpu.memory_space<vmem>>, vector<1x16xf32>,
      %get3A_137 = vector.shape_cast %get3A_136 : vector<1x16xf32> to vector<16xf32>
      %mul3A_138 = arith.mulf %get3A_133, %get3A_137 : vector<16xf32>
      %swap3A_139 = arith.index_cast %scan3A_102 : i32 to index
      %swap3A_140 = arith.constant 32 : index
      %swap3A_141 = tpu.vector_load %arg17[%swap3A_139, %swap3A_140] {strides = array<i32>} : memref<128x128xf32, #tpu.memory_space<vmem>>, vector<1x16xf32>,
      %swap3A_142 = vector.shape_cast %swap3A_141 : vector<1x16xf32> to vector<16xf32>
      %swap3A_143 = vector.shape_cast %mul3A_138 : vector<16xf32> to vector<1x16xf32>
      tpu.vector_store %arg17[%swap3A_139, %swap3A_140], %swap3A_143 {strides = array<i32>} : memref<128x128xf32, #tpu.memory_space<vmem>>, vector<1x16xf32>,
      %get3A_144 = arith.index_cast %scan3A_102 : i32 to index
      %get3A_145 = arith.constant 48 : index
      %get3A_146 = tpu.vector_load %arg17[%get3A_144, %get3A_145] {strides = array<i32>} : memref<128x128xf32, #tpu.memory_space<vmem>>, vector<1x16xf32>,
      %get3A_147 = vector.shape_cast %get3A_146 : vector<1x16xf32> to vector<16xf32>
      %get3A_148 = arith.index_cast %scan3A_102 : i32 to index
      %get3A_149 = arith.constant 48 : index
      %get3A_150 = tpu.vector_load %arg19[%get3A_148, %get3A_149] {strides = array<i32>} : memref<128x128xf32, #tpu.memory_space<vmem>>, vector<1x16xf32>,
      %get3A_151 = vector.shape_cast %get3A_150 : vector<1x16xf32> to vector<16xf32>
      %mul3A_152 = arith.mulf %get3A_147, %get3A_151 : vector<16xf32>
      %swap3A_153 = arith.index_cast %scan3A_102 : i32 to index
      %swap3A_154 = arith.constant 48 : index
      %swap3A_155 = tpu.vector_load %arg17[%swap3A_153, %swap3A_154] {strides = array<i32>} : memref<128x128xf32, #tpu.memory_space<vmem>>, vector<1x16xf32>,
      %swap3A_156 = vector.shape_cast %swap3A_155 : vector<1x16xf32> to vector<16xf32>
      %swap3A_157 = vector.shape_cast %mul3A_152 : vector<16xf32> to vector<1x16xf32>
      tpu.vector_store %arg17[%swap3A_153, %swap3A_154], %swap3A_157 {strides = array<i32>} : memref<128x128xf32, #tpu.memory_space<vmem>>, vector<1x16xf32>,
      %get3A_158 = arith.index_cast %scan3A_102 : i32 to index
      %get3A_159 = arith.constant 64 : index
      %get3A_160 = tpu.vector_load %arg17[%get3A_158, %get3A_159] {strides = array<i32>} : memref<128x128xf32, #tpu.memory_space<vmem>>, vector<1x16xf32>,
      %get3A_161 = vector.shape_cast %get3A_160 : vector<1x16xf32> to vector<16xf32>
      %get3A_162 = arith.index_cast %scan3A_102 : i32 to index
      %get3A_163 = arith.constant 64 : index
      %get3A_164 = tpu.vector_load %arg19[%get3A_162, %get3A_163] {strides = array<i32>} : memref<128x128xf32, #tpu.memory_space<vmem>>, vector<1x16xf32>,
      %get3A_165 = vector.shape_cast %get3A_164 : vector<1x16xf32> to vector<16xf32>
      %mul3A_166 = arith.mulf %get3A_161, %get3A_165 : vector<16xf32>
      %swap3A_167 = arith.index_cast %scan3A_102 : i32 to index
      %swap3A_168 = arith.constant 64 : index
      %swap3A_169 = tpu.vector_load %arg17[%swap3A_167, %swap3A_168] {strides = array<i32>} : memref<128x128xf32, #tpu.memory_space<vmem>>, vector<1x16xf32>,
      %swap3A_170 = vector.shape_cast %swap3A_169 : vector<1x16xf32> to vector<16xf32>
      %swap3A_171 = vector.shape_cast %mul3A_166 : vector<16xf32> to vector<1x16xf32>
      tpu.vector_store %arg17[%swap3A_167, %swap3A_168], %swap3A_171 {strides = array<i32>} : memref<128x128xf32, #tpu.memory_space<vmem>>, vector<1x16xf32>,
      %get3A_172 = arith.index_cast %scan3A_102 : i32 to index
      %get3A_173 = arith.constant 80 : index
      %get3A_174 = tpu.vector_load %arg17[%get3A_172, %get3A_173] {strides = array<i32>} : memref<128x128xf32, #tpu.memory_space<vmem>>, vector<1x16xf32>,
      %get3A_175 = vector.shape_cast %get3A_174 : vector<1x16xf32> to vector<16xf32>
      %get3A_176 = arith.index_cast %scan3A_102 : i32 to index
      %get3A_177 = arith.constant 80 : index
      %get3A_178 = tpu.vector_load %arg19[%get3A_176, %get3A_177] {strides = array<i32>} : memref<128x128xf32, #tpu.memory_space<vmem>>, vector<1x16xf32>,
      %get3A_179 = vector.shape_cast %get3A_178 : vector<1x16xf32> to vector<16xf32>
      %mul3A_180 = arith.mulf %get3A_175, %get3A_179 : vector<16xf32>
      %swap3A_181 = arith.index_cast %scan3A_102 : i32 to index
      %swap3A_182 = arith.constant 80 : index
      %swap3A_183 = tpu.vector_load %arg17[%swap3A_181, %swap3A_182] {strides = array<i32>} : memref<128x128xf32, #tpu.memory_space<vmem>>, vector<1x16xf32>,
      %swap3A_184 = vector.shape_cast %swap3A_183 : vector<1x16xf32> to vector<16xf32>
      %swap3A_185 = vector.shape_cast %mul3A_180 : vector<16xf32> to vector<1x16xf32>
      tpu.vector_store %arg17[%swap3A_181, %swap3A_182], %swap3A_185 {strides = array<i32>} : memref<128x128xf32, #tpu.memory_space<vmem>>, vector<1x16xf32>,
      %get3A_186 = arith.index_cast %scan3A_102 : i32 to index
      %get3A_187 = arith.constant 96 : index
      %get3A_188 = tpu.vector_load %arg17[%get3A_186, %get3A_187] {strides = array<i32>} : memref<128x128xf32, #tpu.memory_space<vmem>>, vector<1x16xf32>,
      %get3A_189 = vector.shape_cast %get3A_188 : vector<1x16xf32> to vector<16xf32>
      %get3A_190 = arith.index_cast %scan3A_102 : i32 to index
      %get3A_191 = arith.constant 96 : index
      %get3A_192 = tpu.vector_load %arg19[%get3A_190, %get3A_191] {strides = array<i32>} : memref<128x128xf32, #tpu.memory_space<vmem>>, vector<1x16xf32>,
      %get3A_193 = vector.shape_cast %get3A_192 : vector<1x16xf32> to vector<16xf32>
      %mul3A_194 = arith.mulf %get3A_189, %get3A_193 : vector<16xf32>
      %swap3A_195 = arith.index_cast %scan3A_102 : i32 to index
      %swap3A_196 = arith.constant 96 : index
      %swap3A_197 = tpu.vector_load %arg17[%swap3A_195, %swap3A_196] {strides = array<i32>} : memref<128x128xf32, #tpu.memory_space<vmem>>, vector<1x16xf32>,
      %swap3A_198 = vector.shape_cast %swap3A_197 : vector<1x16xf32> to vector<16xf32>
      %swap3A_199 = vector.shape_cast %mul3A_194 : vector<16xf32> to vector<1x16xf32>
      tpu.vector_store %arg17[%swap3A_195, %swap3A_196], %swap3A_199 {strides = array<i32>} : memref<128x128xf32, #tpu.memory_space<vmem>>, vector<1x16xf32>,
      %get3A_200 = arith.index_cast %scan3A_102 : i32 to index
      %get3A_201 = arith.constant 112 : index
      %get3A_202 = tpu.vector_load %arg17[%get3A_200, %get3A_201] {strides = array<i32>} : memref<128x128xf32, #tpu.memory_space<vmem>>, vector<1x16xf32>,
      %get3A_203 = vector.shape_cast %get3A_202 : vector<1x16xf32> to vector<16xf32>
      %get3A_204 = arith.index_cast %scan3A_102 : i32 to index
      %get3A_205 = arith.constant 112 : index
      %get3A_206 = tpu.vector_load %arg19[%get3A_204, %get3A_205] {strides = array<i32>} : memref<128x128xf32, #tpu.memory_space<vmem>>, vector<1x16xf32>,
      %get3A_207 = vector.shape_cast %get3A_206 : vector<1x16xf32> to vector<16xf32>
      %mul3A_208 = arith.mulf %get3A_203, %get3A_207 : vector<16xf32>
      %swap3A_209 = arith.index_cast %scan3A_102 : i32 to index
      %swap3A_210 = arith.constant 112 : index
      %swap3A_211 = tpu.vector_load %arg17[%swap3A_209, %swap3A_210] {strides = array<i32>} : memref<128x128xf32, #tpu.memory_space<vmem>>, vector<1x16xf32>,
      %swap3A_212 = vector.shape_cast %swap3A_211 : vector<1x16xf32> to vector<16xf32>
      %swap3A_213 = vector.shape_cast %mul3A_208 : vector<16xf32> to vector<1x16xf32>
      tpu.vector_store %arg17[%swap3A_209, %swap3A_210], %swap3A_213 {strides = array<i32>} : memref<128x128xf32, #tpu.memory_space<vmem>>, vector<1x16xf32>,
      %scan3A_214 = arith.constant 0 : i32
      scf.yield %scan3A_214 : i32
    }
    %scan3A_55 = arith.constant 128 : i32
    %dma_start3A_56 = arith.constant 0 : i32
    %dma_start3A_57 = tpu.memref_slice %arg8[%add3A_37, %dma_start3A_56] : memref<8192x128xf32, #tpu.memory_space<hbm>> -> memref<128x128xf32, #tpu.memory_space<hbm>>
    %dma_start3A_58 = arith.constant 0 : i32
    %dma_start3A_59 = tpu.memref_slice %arg8[%add3A_37, %dma_start3A_58] : memref<8192x128xf32, #tpu.memory_space<hbm>> -> memref<128x128xf32, #tpu.memory_space<hbm>>
    tpu.enqueue_dma source(%arg17 : memref<128x128xf32, #tpu.memory_space<vmem>>) target(%dma_start3A_59 : memref<128x128xf32, #tpu.memory_space<hbm>>) target_semaphore(%arg28 : memref<!tpu.dma_semaphore, #tpu.memory_space<semaphore_mem>>)
    %add3A_60 = arith.constant 128 : i32
    %add3A_61 = arith.addi %mul3A_2, %add3A_60 : i32
    %dma_wait3A_62 = arith.constant 0 : i32
    %dma_wait3A_63 = arith.constant 0 : i32
    %dma_wait3A_64 = tpu.memref_slice %arg2[%dma_wait3A_62, %dma_wait3A_63] : memref<1000000x128xf32, #tpu.memory_space<hbm>> -> memref<1000000x128xf32, #tpu.memory_space<hbm>>
    tpu.wait_indirect_dma semaphore(%arg22 : memref<!tpu.dma_semaphore, #tpu.memory_space<semaphore_mem>>) src(%dma_wait3A_64 : memref<1000000x128xf32, #tpu.memory_space<hbm>>) dst(%arg16 : memref<128x128xf32, #tpu.memory_space<vmem>>)
    %dma_start3A_65 = arith.constant 0 : i32
    %dma_start3A_66 = tpu.memref_slice %arg7[%add3A_61, %dma_start3A_65] : memref<8192x128xf32, #tpu.memory_space<hbm>> -> memref<128x128xf32, #tpu.memory_space<hbm>>
    %dma_start3A_67 = arith.constant 0 : i32
    %dma_start3A_68 = tpu.memref_slice %arg7[%add3A_61, %dma_start3A_67] : memref<8192x128xf32, #tpu.memory_space<hbm>> -> memref<128x128xf32, #tpu.memory_space<hbm>>
    tpu.enqueue_dma source(%arg16 : memref<128x128xf32, #tpu.memory_space<vmem>>) target(%dma_start3A_68 : memref<128x128xf32, #tpu.memory_space<hbm>>) target_semaphore(%arg27 : memref<!tpu.dma_semaphore, #tpu.memory_space<semaphore_mem>>)
    %dma_wait3A_69 = arith.constant 0 : i32
    %dma_wait3A_70 = arith.constant 0 : i32
    %dma_wait3A_71 = tpu.memref_slice %arg2[%dma_wait3A_69, %dma_wait3A_70] : memref<1000000x128xf32, #tpu.memory_space<hbm>> -> memref<1000000x128xf32, #tpu.memory_space<hbm>>
    tpu.wait_indirect_dma semaphore(%arg24 : memref<!tpu.dma_semaphore, #tpu.memory_space<semaphore_mem>>) src(%dma_wait3A_71 : memref<1000000x128xf32, #tpu.memory_space<hbm>>) dst(%arg18 : memref<128x128xf32, #tpu.memory_space<vmem>>)
    %dma_wait3A_72 = arith.constant 0 : i32
    %dma_wait3A_73 = arith.constant 0 : i32
    %dma_wait3A_74 = tpu.memref_slice %arg3[%dma_wait3A_72, %dma_wait3A_73] : memref<1000000x128xf32, #tpu.memory_space<hbm>> -> memref<1000000x128xf32, #tpu.memory_space<hbm>>
    tpu.wait_indirect_dma semaphore(%arg26 : memref<!tpu.dma_semaphore, #tpu.memory_space<semaphore_mem>>) src(%dma_wait3A_74 : memref<1000000x128xf32, #tpu.memory_space<hbm>>) dst(%arg20 : memref<128x128xf32, #tpu.memory_space<vmem>>)
    %scan3A_75 = arith.constant 0 : i32
    %scan3A_76 = arith.constant 0 : i32
    %scan3A_77 = arith.constant 128 : i32
    %scan3A_78 = arith.addi %scan3A_76, %scan3A_77 : i32
    %scan3A_79 = arith.constant 1 : i32
    %scan3A_80 = scf.for %scan3A_102 = %scan3A_76 to %scan3A_78 step %scan3A_79 iter_args(%scan3A_103 = %scan3A_75) -> (i32)  : i32 {
      %get3A = arith.index_cast %scan3A_102 : i32 to index
      %get3A_104 = arith.constant 0 : index
      %get3A_105 = tpu.vector_load %arg18[%get3A, %get3A_104] {strides = array<i32>} : memref<128x128xf32, #tpu.memory_space<vmem>>, vector<1x16xf32>,
      %get3A_106 = vector.shape_cast %get3A_105 : vector<1x16xf32> to vector<16xf32>
      %get3A_107 = arith.index_cast %scan3A_102 : i32 to index
      %get3A_108 = arith.constant 0 : index
      %get3A_109 = tpu.vector_load %arg20[%get3A_107, %get3A_108] {strides = array<i32>} : memref<128x128xf32, #tpu.memory_space<vmem>>, vector<1x16xf32>,
      %get3A_110 = vector.shape_cast %get3A_109 : vector<1x16xf32> to vector<16xf32>
      %mul3A_111 = arith.mulf %get3A_106, %get3A_110 : vector<16xf32>
      %swap3A = arith.index_cast %scan3A_102 : i32 to index
      %swap3A_112 = arith.constant 0 : index
      %swap3A_113 = tpu.vector_load %arg18[%swap3A, %swap3A_112] {strides = array<i32>} : memref<128x128xf32, #tpu.memory_space<vmem>>, vector<1x16xf32>,
      %swap3A_114 = vector.shape_cast %swap3A_113 : vector<1x16xf32> to vector<16xf32>
      %swap3A_115 = vector.shape_cast %mul3A_111 : vector<16xf32> to vector<1x16xf32>
      tpu.vector_store %arg18[%swap3A, %swap3A_112], %swap3A_115 {strides = array<i32>} : memref<128x128xf32, #tpu.memory_space<vmem>>, vector<1x16xf32>,
      %get3A_116 = arith.index_cast %scan3A_102 : i32 to index
      %get3A_117 = arith.constant 16 : index
      %get3A_118 = tpu.vector_load %arg18[%get3A_116, %get3A_117] {strides = array<i32>} : memref<128x128xf32, #tpu.memory_space<vmem>>, vector<1x16xf32>,
      %get3A_119 = vector.shape_cast %get3A_118 : vector<1x16xf32> to vector<16xf32>
      %get3A_120 = arith.index_cast %scan3A_102 : i32 to index
      %get3A_121 = arith.constant 16 : index
      %get3A_122 = tpu.vector_load %arg20[%get3A_120, %get3A_121] {strides = array<i32>} : memref<128x128xf32, #tpu.memory_space<vmem>>, vector<1x16xf32>,
      %get3A_123 = vector.shape_cast %get3A_122 : vector<1x16xf32> to vector<16xf32>
      %mul3A_124 = arith.mulf %get3A_119, %get3A_123 : vector<16xf32>
      %swap3A_125 = arith.index_cast %scan3A_102 : i32 to index
      %swap3A_126 = arith.constant 16 : index
      %swap3A_127 = tpu.vector_load %arg18[%swap3A_125, %swap3A_126] {strides = array<i32>} : memref<128x128xf32, #tpu.memory_space<vmem>>, vector<1x16xf32>,
      %swap3A_128 = vector.shape_cast %swap3A_127 : vector<1x16xf32> to vector<16xf32>
      %swap3A_129 = vector.shape_cast %mul3A_124 : vector<16xf32> to vector<1x16xf32>
      tpu.vector_store %arg18[%swap3A_125, %swap3A_126], %swap3A_129 {strides = array<i32>} : memref<128x128xf32, #tpu.memory_space<vmem>>, vector<1x16xf32>,
      %get3A_130 = arith.index_cast %scan3A_102 : i32 to index
      %get3A_131 = arith.constant 32 : index
      %get3A_132 = tpu.vector_load %arg18[%get3A_130, %get3A_131] {strides = array<i32>} : memref<128x128xf32, #tpu.memory_space<vmem>>, vector<1x16xf32>,
      %get3A_133 = vector.shape_cast %get3A_132 : vector<1x16xf32> to vector<16xf32>
      %get3A_134 = arith.index_cast %scan3A_102 : i32 to index
      %get3A_135 = arith.constant 32 : index
      %get3A_136 = tpu.vector_load %arg20[%get3A_134, %get3A_135] {strides = array<i32>} : memref<128x128xf32, #tpu.memory_space<vmem>>, vector<1x16xf32>,
      %get3A_137 = vector.shape_cast %get3A_136 : vector<1x16xf32> to vector<16xf32>
      %mul3A_138 = arith.mulf %get3A_133, %get3A_137 : vector<16xf32>
      %swap3A_139 = arith.index_cast %scan3A_102 : i32 to index
      %swap3A_140 = arith.constant 32 : index
      %swap3A_141 = tpu.vector_load %arg18[%swap3A_139, %swap3A_140] {strides = array<i32>} : memref<128x128xf32, #tpu.memory_space<vmem>>, vector<1x16xf32>,
      %swap3A_142 = vector.shape_cast %swap3A_141 : vector<1x16xf32> to vector<16xf32>
      %swap3A_143 = vector.shape_cast %mul3A_138 : vector<16xf32> to vector<1x16xf32>
      tpu.vector_store %arg18[%swap3A_139, %swap3A_140], %swap3A_143 {strides = array<i32>} : memref<128x128xf32, #tpu.memory_space<vmem>>, vector<1x16xf32>,
      %get3A_144 = arith.index_cast %scan3A_102 : i32 to index
      %get3A_145 = arith.constant 48 : index
      %get3A_146 = tpu.vector_load %arg18[%get3A_144, %get3A_145] {strides = array<i32>} : memref<128x128xf32, #tpu.memory_space<vmem>>, vector<1x16xf32>,
      %get3A_147 = vector.shape_cast %get3A_146 : vector<1x16xf32> to vector<16xf32>
      %get3A_148 = arith.index_cast %scan3A_102 : i32 to index
      %get3A_149 = arith.constant 48 : index
      %get3A_150 = tpu.vector_load %arg20[%get3A_148, %get3A_149] {strides = array<i32>} : memref<128x128xf32, #tpu.memory_space<vmem>>, vector<1x16xf32>,
      %get3A_151 = vector.shape_cast %get3A_150 : vector<1x16xf32> to vector<16xf32>
      %mul3A_152 = arith.mulf %get3A_147, %get3A_151 : vector<16xf32>
      %swap3A_153 = arith.index_cast %scan3A_102 : i32 to index
      %swap3A_154 = arith.constant 48 : index
      %swap3A_155 = tpu.vector_load %arg18[%swap3A_153, %swap3A_154] {strides = array<i32>} : memref<128x128xf32, #tpu.memory_space<vmem>>, vector<1x16xf32>,
      %swap3A_156 = vector.shape_cast %swap3A_155 : vector<1x16xf32> to vector<16xf32>
      %swap3A_157 = vector.shape_cast %mul3A_152 : vector<16xf32> to vector<1x16xf32>
      tpu.vector_store %arg18[%swap3A_153, %swap3A_154], %swap3A_157 {strides = array<i32>} : memref<128x128xf32, #tpu.memory_space<vmem>>, vector<1x16xf32>,
      %get3A_158 = arith.index_cast %scan3A_102 : i32 to index
      %get3A_159 = arith.constant 64 : index
      %get3A_160 = tpu.vector_load %arg18[%get3A_158, %get3A_159] {strides = array<i32>} : memref<128x128xf32, #tpu.memory_space<vmem>>, vector<1x16xf32>,
      %get3A_161 = vector.shape_cast %get3A_160 : vector<1x16xf32> to vector<16xf32>
      %get3A_162 = arith.index_cast %scan3A_102 : i32 to index
      %get3A_163 = arith.constant 64 : index
      %get3A_164 = tpu.vector_load %arg20[%get3A_162, %get3A_163] {strides = array<i32>} : memref<128x128xf32, #tpu.memory_space<vmem>>, vector<1x16xf32>,
      %get3A_165 = vector.shape_cast %get3A_164 : vector<1x16xf32> to vector<16xf32>
      %mul3A_166 = arith.mulf %get3A_161, %get3A_165 : vector<16xf32>
      %swap3A_167 = arith.index_cast %scan3A_102 : i32 to index
      %swap3A_168 = arith.constant 64 : index
      %swap3A_169 = tpu.vector_load %arg18[%swap3A_167, %swap3A_168] {strides = array<i32>} : memref<128x128xf32, #tpu.memory_space<vmem>>, vector<1x16xf32>,
      %swap3A_170 = vector.shape_cast %swap3A_169 : vector<1x16xf32> to vector<16xf32>
      %swap3A_171 = vector.shape_cast %mul3A_166 : vector<16xf32> to vector<1x16xf32>
      tpu.vector_store %arg18[%swap3A_167, %swap3A_168], %swap3A_171 {strides = array<i32>} : memref<128x128xf32, #tpu.memory_space<vmem>>, vector<1x16xf32>,
      %get3A_172 = arith.index_cast %scan3A_102 : i32 to index
      %get3A_173 = arith.constant 80 : index
      %get3A_174 = tpu.vector_load %arg18[%get3A_172, %get3A_173] {strides = array<i32>} : memref<128x128xf32, #tpu.memory_space<vmem>>, vector<1x16xf32>,
      %get3A_175 = vector.shape_cast %get3A_174 : vector<1x16xf32> to vector<16xf32>
      %get3A_176 = arith.index_cast %scan3A_102 : i32 to index
      %get3A_177 = arith.constant 80 : index
      %get3A_178 = tpu.vector_load %arg20[%get3A_176, %get3A_177] {strides = array<i32>} : memref<128x128xf32, #tpu.memory_space<vmem>>, vector<1x16xf32>,
      %get3A_179 = vector.shape_cast %get3A_178 : vector<1x16xf32> to vector<16xf32>
      %mul3A_180 = arith.mulf %get3A_175, %get3A_179 : vector<16xf32>
      %swap3A_181 = arith.index_cast %scan3A_102 : i32 to index
      %swap3A_182 = arith.constant 80 : index
      %swap3A_183 = tpu.vector_load %arg18[%swap3A_181, %swap3A_182] {strides = array<i32>} : memref<128x128xf32, #tpu.memory_space<vmem>>, vector<1x16xf32>,
      %swap3A_184 = vector.shape_cast %swap3A_183 : vector<1x16xf32> to vector<16xf32>
      %swap3A_185 = vector.shape_cast %mul3A_180 : vector<16xf32> to vector<1x16xf32>
      tpu.vector_store %arg18[%swap3A_181, %swap3A_182], %swap3A_185 {strides = array<i32>} : memref<128x128xf32, #tpu.memory_space<vmem>>, vector<1x16xf32>,
      %get3A_186 = arith.index_cast %scan3A_102 : i32 to index
      %get3A_187 = arith.constant 96 : index
      %get3A_188 = tpu.vector_load %arg18[%get3A_186, %get3A_187] {strides = array<i32>} : memref<128x128xf32, #tpu.memory_space<vmem>>, vector<1x16xf32>,
      %get3A_189 = vector.shape_cast %get3A_188 : vector<1x16xf32> to vector<16xf32>
      %get3A_190 = arith.index_cast %scan3A_102 : i32 to index
      %get3A_191 = arith.constant 96 : index
      %get3A_192 = tpu.vector_load %arg20[%get3A_190, %get3A_191] {strides = array<i32>} : memref<128x128xf32, #tpu.memory_space<vmem>>, vector<1x16xf32>,
      %get3A_193 = vector.shape_cast %get3A_192 : vector<1x16xf32> to vector<16xf32>
      %mul3A_194 = arith.mulf %get3A_189, %get3A_193 : vector<16xf32>
      %swap3A_195 = arith.index_cast %scan3A_102 : i32 to index
      %swap3A_196 = arith.constant 96 : index
      %swap3A_197 = tpu.vector_load %arg18[%swap3A_195, %swap3A_196] {strides = array<i32>} : memref<128x128xf32, #tpu.memory_space<vmem>>, vector<1x16xf32>,
      %swap3A_198 = vector.shape_cast %swap3A_197 : vector<1x16xf32> to vector<16xf32>
      %swap3A_199 = vector.shape_cast %mul3A_194 : vector<16xf32> to vector<1x16xf32>
      tpu.vector_store %arg18[%swap3A_195, %swap3A_196], %swap3A_199 {strides = array<i32>} : memref<128x128xf32, #tpu.memory_space<vmem>>, vector<1x16xf32>,
      %get3A_200 = arith.index_cast %scan3A_102 : i32 to index
      %get3A_201 = arith.constant 112 : index
      %get3A_202 = tpu.vector_load %arg18[%get3A_200, %get3A_201] {strides = array<i32>} : memref<128x128xf32, #tpu.memory_space<vmem>>, vector<1x16xf32>,
      %get3A_203 = vector.shape_cast %get3A_202 : vector<1x16xf32> to vector<16xf32>
      %get3A_204 = arith.index_cast %scan3A_102 : i32 to index
      %get3A_205 = arith.constant 112 : index
      %get3A_206 = tpu.vector_load %arg20[%get3A_204, %get3A_205] {strides = array<i32>} : memref<128x128xf32, #tpu.memory_space<vmem>>, vector<1x16xf32>,
      %get3A_207 = vector.shape_cast %get3A_206 : vector<1x16xf32> to vector<16xf32>
      %mul3A_208 = arith.mulf %get3A_203, %get3A_207 : vector<16xf32>
      %swap3A_209 = arith.index_cast %scan3A_102 : i32 to index
      %swap3A_210 = arith.constant 112 : index
      %swap3A_211 = tpu.vector_load %arg18[%swap3A_209, %swap3A_210] {strides = array<i32>} : memref<128x128xf32, #tpu.memory_space<vmem>>, vector<1x16xf32>,
      %swap3A_212 = vector.shape_cast %swap3A_211 : vector<1x16xf32> to vector<16xf32>
      %swap3A_213 = vector.shape_cast %mul3A_208 : vector<16xf32> to vector<1x16xf32>
      tpu.vector_store %arg18[%swap3A_209, %swap3A_210], %swap3A_213 {strides = array<i32>} : memref<128x128xf32, #tpu.memory_space<vmem>>, vector<1x16xf32>,
      %scan3A_214 = arith.constant 0 : i32
      scf.yield %scan3A_214 : i32
    }
    %scan3A_81 = arith.constant 128 : i32
    %dma_start3A_82 = arith.constant 0 : i32
    %dma_start3A_83 = tpu.memref_slice %arg8[%add3A_61, %dma_start3A_82] : memref<8192x128xf32, #tpu.memory_space<hbm>> -> memref<128x128xf32, #tpu.memory_space<hbm>>
    %dma_start3A_84 = arith.constant 0 : i32
    %dma_start3A_85 = tpu.memref_slice %arg8[%add3A_61, %dma_start3A_84] : memref<8192x128xf32, #tpu.memory_space<hbm>> -> memref<128x128xf32, #tpu.memory_space<hbm>>
    tpu.enqueue_dma source(%arg18 : memref<128x128xf32, #tpu.memory_space<vmem>>) target(%dma_start3A_85 : memref<128x128xf32, #tpu.memory_space<hbm>>) target_semaphore(%arg28 : memref<!tpu.dma_semaphore, #tpu.memory_space<semaphore_mem>>)
    %dma_wait3A_86 = arith.constant 0 : i32
    %dma_wait3A_87 = tpu.memref_slice %arg7[%add3A_37, %dma_wait3A_86] : memref<8192x128xf32, #tpu.memory_space<hbm>> -> memref<128x128xf32, #tpu.memory_space<hbm>>
    %dma_wait3A_88 = arith.constant 0 : i32
    %dma_wait3A_89 = tpu.memref_slice %arg7[%add3A_37, %dma_wait3A_88] : memref<8192x128xf32, #tpu.memory_space<hbm>> -> memref<128x128xf32, #tpu.memory_space<hbm>>
    tpu.wait_dma2 semaphore(%arg27 : memref<!tpu.dma_semaphore, #tpu.memory_space<semaphore_mem>>) src(%arg15 : memref<128x128xf32, #tpu.memory_space<vmem>>) dst(%dma_wait3A_89 : memref<128x128xf32, #tpu.memory_space<hbm>>)
    %dma_wait3A_90 = arith.constant 0 : i32
    %dma_wait3A_91 = tpu.memref_slice %arg8[%add3A_37, %dma_wait3A_90] : memref<8192x128xf32, #tpu.memory_space<hbm>> -> memref<128x128xf32, #tpu.memory_space<hbm>>
    %dma_wait3A_92 = arith.constant 0 : i32
    %dma_wait3A_93 = tpu.memref_slice %arg8[%add3A_37, %dma_wait3A_92] : memref<8192x128xf32, #tpu.memory_space<hbm>> -> memref<128x128xf32, #tpu.memory_space<hbm>>
    tpu.wait_dma2 semaphore(%arg28 : memref<!tpu.dma_semaphore, #tpu.memory_space<semaphore_mem>>) src(%arg17 : memref<128x128xf32, #tpu.memory_space<vmem>>) dst(%dma_wait3A_93 : memref<128x128xf32, #tpu.memory_space<hbm>>)
    %dma_wait3A_94 = arith.constant 0 : i32
    %dma_wait3A_95 = tpu.memref_slice %arg7[%add3A_61, %dma_wait3A_94] : memref<8192x128xf32, #tpu.memory_space<hbm>> -> memref<128x128xf32, #tpu.memory_space<hbm>>
    %dma_wait3A_96 = arith.constant 0 : i32
    %dma_wait3A_97 = tpu.memref_slice %arg7[%add3A_61, %dma_wait3A_96] : memref<8192x128xf32, #tpu.memory_space<hbm>> -> memref<128x128xf32, #tpu.memory_space<hbm>>
    tpu.wait_dma2 semaphore(%arg27 : memref<!tpu.dma_semaphore, #tpu.memory_space<semaphore_mem>>) src(%arg16 : memref<128x128xf32, #tpu.memory_space<vmem>>) dst(%dma_wait3A_97 : memref<128x128xf32, #tpu.memory_space<hbm>>)
    %dma_wait3A_98 = arith.constant 0 : i32
    %dma_wait3A_99 = tpu.memref_slice %arg8[%add3A_61, %dma_wait3A_98] : memref<8192x128xf32, #tpu.memory_space<hbm>> -> memref<128x128xf32, #tpu.memory_space<hbm>>
    %dma_wait3A_100 = arith.constant 0 : i32
    %dma_wait3A_101 = tpu.memref_slice %arg8[%add3A_61, %dma_wait3A_100] : memref<8192x128xf32, #tpu.memory_space<hbm>> -> memref<128x128xf32, #tpu.memory_space<hbm>>
    tpu.wait_dma2 semaphore(%arg28 : memref<!tpu.dma_semaphore, #tpu.memory_space<semaphore_mem>>) src(%arg18 : memref<128x128xf32, #tpu.memory_space<vmem>>) dst(%dma_wait3A_101 : memref<128x128xf32, #tpu.memory_space<hbm>>)
    return
  }
}

module attributes {stable_mosaic.version = 14 : i64} {
  func.func @_mlp_body(%arg0: i32, %arg1: memref<4096x128xf32, #tpu.memory_space<vmem>>, %arg2: memref<4096x128xf32, #tpu.memory_space<vmem>>, %arg3: memref<256x512xbf16, #tpu.memory_space<vmem>>, %arg4: memref<1x512xf32, #tpu.memory_space<vmem>>, %arg5: memref<512x256xbf16, #tpu.memory_space<vmem>>, %arg6: memref<1x256xf32, #tpu.memory_space<vmem>>, %arg7: memref<1x256xf32, #tpu.memory_space<vmem>>, %arg8: memref<1x1xf32, #tpu.memory_space<vmem>>, %arg9: memref<4096x1xf32, #tpu.memory_space<vmem>>) attributes {dimension_semantics = [#tpu.dimension_semantics<arbitrary>], iteration_bounds = array<i64: 2>, scalar_prefetch = 0 : i64, scratch_operands = 0 : i64, tpu.core_type = #tpu.core_type<tc>, window_params = [{transform_indices = @transform_0, window_bounds = array<i64: 4096, 128>}, {transform_indices = @transform_1, window_bounds = array<i64: 4096, 128>}, {pipeline_mode = #tpu.pipeline_mode<synchronous>, transform_indices = @transform_2, window_bounds = array<i64: 256, 512>}, {pipeline_mode = #tpu.pipeline_mode<synchronous>, transform_indices = @transform_3, window_bounds = array<i64: 1, 512>}, {pipeline_mode = #tpu.pipeline_mode<synchronous>, transform_indices = @transform_4, window_bounds = array<i64: 512, 256>}, {pipeline_mode = #tpu.pipeline_mode<synchronous>, transform_indices = @transform_5, window_bounds = array<i64: 1, 256>}, {pipeline_mode = #tpu.pipeline_mode<synchronous>, transform_indices = @transform_6, window_bounds = array<i64: 1, 256>}, {pipeline_mode = #tpu.pipeline_mode<synchronous>, transform_indices = @transform_7, window_bounds = array<i64: 1, 1>}, {transform_indices = @transform_8, window_bounds = array<i64: 4096, 1>}]} {
    %get3A = arith.constant 0 : index
    %get3A_0 = arith.constant 0 : index
    %get3A_1 = vector.load %arg1[%get3A, %get3A_0] : memref<4096x128xf32, #tpu.memory_space<vmem>>, vector<4096x128xf32>
    %get3A_2 = arith.constant 0 : index
    %get3A_3 = arith.constant 0 : index
    %get3A_4 = vector.load %arg2[%get3A_2, %get3A_3] : memref<4096x128xf32, #tpu.memory_space<vmem>>, vector<4096x128xf32>
    %mul3A = arith.mulf %get3A_1, %get3A_1 : vector<4096x128xf32>
    %reduce_sum3A = arith.constant dense<0.000000e+00> : vector<4096xf32>
    %reduce_sum3A_5 = vector.multi_reduction <add>, %mul3A, %reduce_sum3A [1] : vector<4096x128xf32> to vector<4096xf32>
    %broadcast_in_dim3A = vector.shape_cast %reduce_sum3A_5 : vector<4096xf32> to vector<4096x1xf32>
    %mul3A_6 = arith.mulf %get3A_4, %get3A_4 : vector<4096x128xf32>
    %reduce_sum3A_7 = arith.constant dense<0.000000e+00> : vector<4096xf32>
    %reduce_sum3A_8 = vector.multi_reduction <add>, %mul3A_6, %reduce_sum3A_7 [1] : vector<4096x128xf32> to vector<4096xf32>
    %broadcast_in_dim3A_9 = vector.shape_cast %reduce_sum3A_8 : vector<4096xf32> to vector<4096x1xf32>
    %add3A = arith.addf %broadcast_in_dim3A, %broadcast_in_dim3A_9 : vector<4096x1xf32>
    %sqrt3A = math.sqrt %add3A : vector<4096x1xf32>
    %max3A = arith.constant 9.99999996E-13 : f32
    %max3A_10 = vector.broadcast %max3A : f32 to vector<4096x1xf32>
    %max3A_11 = arith.maximumf %sqrt3A, %max3A_10 : vector<4096x1xf32>
    %div3A = arith.constant 1.000000e+00 : f32
    %div3A_12 = vector.broadcast %div3A : f32 to vector<4096x1xf32>
    %div3A_13 = arith.divf %div3A_12, %max3A_11 : vector<4096x1xf32>
    %mul3A_14 = vector.broadcast %div3A_13 : vector<4096x1xf32> to vector<4096x128xf32>
    %mul3A_15 = arith.mulf %get3A_1, %mul3A_14 : vector<4096x128xf32>
    %mul3A_16 = vector.broadcast %div3A_13 : vector<4096x1xf32> to vector<4096x128xf32>
    %mul3A_17 = arith.mulf %get3A_4, %mul3A_16 : vector<4096x128xf32>
    %concatenate3A = tpu.concatenate %mul3A_15, %mul3A_17 in 1 : vector<4096x128xf32>, vector<4096x128xf32> -> vector<4096x256xf32>
    %convert_element_type3A = arith.truncf %concatenate3A : vector<4096x256xf32> to vector<4096x256xbf16>
    %get3A_18 = arith.constant 0 : index
    %get3A_19 = arith.constant 0 : index
    %get3A_20 = vector.load %arg3[%get3A_18, %get3A_19] : memref<256x512xbf16, #tpu.memory_space<vmem>>, vector<256x512xbf16>
    %dot_general3A = arith.constant dense<0.000000e+00> : vector<4096x512xf32>
    %dot_general3A_21 = tpu.matmul %convert_element_type3A, %get3A_20, %dot_general3A {dimension_numbers = #tpu.dot_dimension_numbers<[1], [0], [0], [1], [0, 0, 1, 1], [], []>, transpose_lhs_hint = false} : vector<4096x256xbf16>, vector<256x512xbf16>, vector<4096x512xf32> -> vector<4096x512xf32>
    %get3A_22 = arith.constant 0 : index
    %get3A_23 = arith.constant 0 : index
    %get3A_24 = vector.load %arg4[%get3A_22, %get3A_23] : memref<1x512xf32, #tpu.memory_space<vmem>>, vector<1x512xf32>
    %add3A_25 = vector.broadcast %get3A_24 : vector<1x512xf32> to vector<4096x512xf32>
    %add3A_26 = arith.addf %dot_general3A_21, %add3A_25 : vector<4096x512xf32>
    %max3A_27 = arith.constant 0.000000e+00 : f32
    %max3A_28 = vector.broadcast %max3A_27 : f32 to vector<4096x512xf32>
    %max3A_29 = arith.maximumf %add3A_26, %max3A_28 : vector<4096x512xf32>
    %convert_element_type3A_30 = arith.truncf %max3A_29 : vector<4096x512xf32> to vector<4096x512xbf16>
    %get3A_31 = arith.constant 0 : index
    %get3A_32 = arith.constant 0 : index
    %get3A_33 = vector.load %arg5[%get3A_31, %get3A_32] : memref<512x256xbf16, #tpu.memory_space<vmem>>, vector<512x256xbf16>
    %dot_general3A_34 = arith.constant dense<0.000000e+00> : vector<4096x256xf32>
    %dot_general3A_35 = tpu.matmul %convert_element_type3A_30, %get3A_33, %dot_general3A_34 {dimension_numbers = #tpu.dot_dimension_numbers<[1], [0], [0], [1], [0, 0, 1, 1], [], []>, transpose_lhs_hint = false} : vector<4096x512xbf16>, vector<512x256xbf16>, vector<4096x256xf32> -> vector<4096x256xf32>
    %get3A_36 = arith.constant 0 : index
    %get3A_37 = arith.constant 0 : index
    %get3A_38 = vector.load %arg6[%get3A_36, %get3A_37] : memref<1x256xf32, #tpu.memory_space<vmem>>, vector<1x256xf32>
    %add3A_39 = vector.broadcast %get3A_38 : vector<1x256xf32> to vector<4096x256xf32>
    %add3A_40 = arith.addf %dot_general3A_35, %add3A_39 : vector<4096x256xf32>
    %max3A_41 = arith.constant 0.000000e+00 : f32
    %max3A_42 = vector.broadcast %max3A_41 : f32 to vector<4096x256xf32>
    %max3A_43 = arith.maximumf %add3A_40, %max3A_42 : vector<4096x256xf32>
    %get3A_44 = arith.constant 0 : index
    %get3A_45 = arith.constant 0 : index
    %get3A_46 = vector.load %arg7[%get3A_44, %get3A_45] : memref<1x256xf32, #tpu.memory_space<vmem>>, vector<1x256xf32>
    %mul3A_47 = vector.broadcast %get3A_46 : vector<1x256xf32> to vector<4096x256xf32>
    %mul3A_48 = arith.mulf %max3A_43, %mul3A_47 : vector<4096x256xf32>
    %reduce_sum3A_49 = arith.constant dense<0.000000e+00> : vector<4096xf32>
    %reduce_sum3A_50 = vector.multi_reduction <add>, %mul3A_48, %reduce_sum3A_49 [1] : vector<4096x256xf32> to vector<4096xf32>
    %broadcast_in_dim3A_51 = vector.shape_cast %reduce_sum3A_50 : vector<4096xf32> to vector<4096x1xf32>
    %get3A_52 = arith.constant 0 : index
    %get3A_53 = arith.constant 0 : index
    %get3A_54 = vector.load %arg8[%get3A_52, %get3A_53] : memref<1x1xf32, #tpu.memory_space<vmem>>, vector<1x1xf32>
    %add3A_55 = vector.broadcast %get3A_54 : vector<1x1xf32> to vector<4096x1xf32>
    %add3A_56 = arith.addf %broadcast_in_dim3A_51, %add3A_55 : vector<4096x1xf32>
    %logistic3A = arith.negf %add3A_56 : vector<4096x1xf32>
    %logistic3A_57 = math.exp %logistic3A : vector<4096x1xf32>
    %logistic3A_58 = arith.constant 1.000000e+00 : f32
    %logistic3A_59 = vector.broadcast %logistic3A_58 : f32 to vector<4096x1xf32>
    %logistic3A_60 = arith.addf %logistic3A_59, %logistic3A_57 : vector<4096x1xf32>
    %logistic3A_61 = arith.divf %logistic3A_59, %logistic3A_60 : vector<4096x1xf32>
    %swap3A = arith.constant 0 : index
    %swap3A_62 = arith.constant 0 : index
    %swap3A_63 = vector.load %arg9[%swap3A, %swap3A_62] : memref<4096x1xf32, #tpu.memory_space<vmem>>, vector<4096x1xf32>
    tpu.vector_store %arg9[%swap3A, %swap3A_62], %logistic3A_61 {strides = array<i32>} : memref<4096x1xf32, #tpu.memory_space<vmem>>, vector<4096x1xf32>,
    return
  }
  func.func @transform_0(%arg0: i32) -> (i32, i32) {
    %c0_i32 = arith.constant 0 : i32
    %c0_i32_0 = arith.constant 0 : i32
    return %arg0, %c0_i32 : i32, i32
  }
  func.func @transform_1(%arg0: i32) -> (i32, i32) {
    %c0_i32 = arith.constant 0 : i32
    %c0_i32_0 = arith.constant 0 : i32
    return %arg0, %c0_i32 : i32, i32
  }
  func.func @transform_2(%arg0: i32) -> (i32, i32) {
    %c0_i32 = arith.constant 0 : i32
    %c0_i32_0 = arith.constant 0 : i32
    %c0_i32_1 = arith.constant 0 : i32
    return %c0_i32, %c0_i32_0 : i32, i32
  }
  func.func @transform_3(%arg0: i32) -> (i32, i32) {
    %c0_i32 = arith.constant 0 : i32
    %c0_i32_0 = arith.constant 0 : i32
    %c0_i32_1 = arith.constant 0 : i32
    return %c0_i32, %c0_i32_0 : i32, i32
  }
  func.func @transform_4(%arg0: i32) -> (i32, i32) {
    %c0_i32 = arith.constant 0 : i32
    %c0_i32_0 = arith.constant 0 : i32
    %c0_i32_1 = arith.constant 0 : i32
    return %c0_i32, %c0_i32_0 : i32, i32
  }
  func.func @transform_5(%arg0: i32) -> (i32, i32) {
    %c0_i32 = arith.constant 0 : i32
    %c0_i32_0 = arith.constant 0 : i32
    %c0_i32_1 = arith.constant 0 : i32
    return %c0_i32, %c0_i32_0 : i32, i32
  }
  func.func @transform_6(%arg0: i32) -> (i32, i32) {
    %c0_i32 = arith.constant 0 : i32
    %c0_i32_0 = arith.constant 0 : i32
    %c0_i32_1 = arith.constant 0 : i32
    return %c0_i32, %c0_i32_0 : i32, i32
  }
  func.func @transform_7(%arg0: i32) -> (i32, i32) {
    %c0_i32 = arith.constant 0 : i32
    %c0_i32_0 = arith.constant 0 : i32
    %c0_i32_1 = arith.constant 0 : i32
    return %c0_i32, %c0_i32_0 : i32, i32
  }
  func.func @transform_8(%arg0: i32) -> (i32, i32) {
    %c0_i32 = arith.constant 0 : i32
    %c0_i32_0 = arith.constant 0 : i32
    return %arg0, %c0_i32 : i32, i32
  }
}

</mosaic_0001>

<sc_bundles>
// kernel: kernel.6.cloned.1.call-start
scs
__scs_entry_jumppad:
0x0: {  	(pc) =	sbr.rel $0x88, $3  }
0x1: {  	(tag) =	ssettag $0x0;
	lr =	simm.s32 $0x1  }
0x2: {  	[smem:$0x3F98] =	sst lr;
	_ =	strace $0xD0000000  }
0x3: {  	_ = 	snop  }
0x4: {  	_ = 	snop  }
0x5: {  	_ = 	snop  }
0x6: {  	_ = 	snop  }
0x7: {  	_ = 	snop  }
__scs_overlays_trampoline_lowered:
0x8: {  	[smem:$0x3FA7] =	sst s0  }
0x9: {  	[smem:$0x3FA8] =	sst s1  }
0xa: {  	[smem:$0x3FA9] =	sst s2  }
0xb: {  	[smem:$0x3FAA] =	sst s3  }
0xc: {  	[smem:$0x3FAB] =	sst s4  }
0xd: {  	[smem:$0x3FAC] =	sst s5  }
0xe: {  	[smem:$0x3FAD] =	sst s6  }
0xf: {  	[smem:$0x3FAE] =	sst s7  }
0x10: {  	[smem:$0x3FAF] =	sst s8  }
0x11: {  	[smem:$0x3FB0] =	sst s9;
	s0 =	simm.s32 @!p0 $0x0  }
0x12: {  	s1 =	sld [smem:$0x3F96];
	s0 =	simm.s32 @p0 $0x1  }
0x13: {  	[smem:$0x3FB1] =	sst s0;
	s0 =	simm.s32 @!p1 $0x0  }
0x14: {  	s2 =	sld [smem:$0x3F95];
	s0 =	simm.s32 @p1 $0x1  }
0x15: {  	[smem:$0x3FB2] =	sst s0;
	s0 =	simm.s32 @!p2 $0x0  }
0x16: {  	s3 =	sld [smem:$0x3FDB];
	s0 =	simm.s32 @p2 $0x1  }
0x17: {  	s4 =	simm.s32 $0x1BF5;
	[smem:$0x3FB4] =	sst s0  }
0x18: {  	s0 =	sld [smem:$0x3F97];
	_ =	swait.ge [sflag:s4], $0x0  }
0x19: {  	s7 =	sld [smem:$0x3F98]  }
0x1a: {  	s8 =	sadd.s32 $0xFFFFE003, lr  }
0x1b: {  	s9 =	sadd.s32 $0xFFFFFEF7, lr;
	s5 =	simm.s32 $0xFFFFFFFF;
	p2 =	slt.u32 s8, $0xFFFFF086  }
0x1c: {  	p1 =	slt.u32 s9, $0xF7A;
	s5 =	simm.s32 @!p2 $0x0  }
0x1d: {  	s5 =	simm.s32 @p1 $0x1;
	p0 =	seq.s32 s7, s2  }
0x1e: {  	s7 =	smul.u32 @!p0 $0xF7A, s2;
	p2 =	seq.s32 @!p0 s5, $0x0  }
0x1f: {  	s9 =	smul.u32 $0xF7A, s1;
	s8 =	simm.s32 @!p0 $0x1BF5;
	p2 =	por !p2, p0  }
0x20: {  	[sflag:s8] =	ssyncset.s32 @!p0 $0xFFFFF086;
	s6 =	sadd.s32 @!p0 s3, s7;
	s7 =	simm.s32 @!p0 $0x108  }
0x21: {  	s3 =	sadd.s32 s3, s9;
	s6 =	sadd.s32 @!p0 $0x88, s6;
	s7 =	simm.s32 @p2 $0x1082  }
0x22: {  	[simem:s7], [sflag:s8] =	dma.local @!p0 [hbm:s6], $0xF7A  }
0x23: {  	s9 =	sor.u32 $0xD0000000, s2;
	s6 =	simm.s32 $0x108;
	_ =	swait.ge @!p0 [sflag:s8], $0x0  }
0x24: {  	s3 =	sadd.s32 $0x88, s3;
	s6 =	simm.s32 @!p1 $0x1082;
	[sflag:s4] =	ssyncset.s32 $0xFFFFF086  }
0x25: {  	[simem:s6], [sflag:s4] =	dma.local [hbm:s3], $0xF7A  }
0x26: {  	[smem:$0x3F98] =	sst s1;
	(tag) =	ssettag s2;
	_ =	strace s9  }
0x27: {  	s1 =	sld [smem:$0x3FA8]  }
0x28: {  	s2 =	sld [smem:$0x3FA9]  }
0x29: {  	s4 =	sld [smem:$0x3FAB]  }
0x2a: {  	p0 =	seq.s32 s5, $0x0;
	s5 =	sld [smem:$0x3FAC]  }
0x2b: {  	s6 =	sld [smem:$0x3FAD]  }
0x2c: {  	s7 =	sld [smem:$0x3FAE]  }
0x2d: {  	s3 =	simm.s32 $0x108;
	s8 =	sld [smem:$0x3FAF]  }
0x2e: {  	s3 =	simm.s32 @!p0 $0x1082;
	s9 =	sld [smem:$0x3FB0]  }
0x2f: {  	lr =	sadd.s32 s0, s3;
	s0 =	sld [smem:$0x3FA7]  }
0x30: {  	s3 =	sld [smem:$0x3FAA]  }
0x31: {  	[smem:$0x3FB3] =	sst s10  }
0x32: {  	s10 =	sld [smem:$0x3FB1];
	_ =	sdelay $0x3  }
0x33: {  	p0 =	seq.s32 s10, $0x1;
	s10 =	sld [smem:$0x3FB3];
	_ =	sdelay $0x3  }
0x34: {  	[smem:$0x3FB3] =	sst s10  }
0x35: {  	s10 =	sld [smem:$0x3FB2];
	_ =	sdelay $0x3  }
0x36: {  	p1 =	seq.s32 s10, $0x1;
	s10 =	sld [smem:$0x3FB3];
	_ =	sdelay $0x3  }
0x37: {  	[smem:$0x3FB3] =	sst s10  }
0x38: {  	s10 =	sld [smem:$0x3FB4]  }
0x39: {  	_ = 	snop;
	(pc) =	sbr.ind lr, $3  }
0x3a: {  	_ = 	snop  }
0x3b: {  	_ = 	snop  }
0x3c: {  	p2 =	seq.s32 s10, $0x1;
	s10 =	sld [smem:$0x3FB3]  }
0x3d: {  	_ =	shalt  }
0x3e: {  	_ =	shalt  }
0x3f: {  	_ =	shalt  }
0x40: {  	_ =	shalt  }
0x41: {  	_ =	shalt  }
0x42: {  	_ =	shalt  }
0x43: {  	_ =	shalt  }
0x44: {  	_ =	shalt  }
0x45: {  	_ =	shalt  }
0x46: {  	_ =	shalt  }
0x47: {  	_ =	shalt  }
0x48: {  	_ =	shalt  }
0x49: {  	_ =	shalt  }
0x4a: {  	_ =	shalt  }
0x4b: {  	_ =	shalt  }
0x4c: {  	_ =	shalt  }
0x4d: {  	_ =	shalt  }
0x4e: {  	_ =	shalt  }
0x4f: {  	_ =	shalt  }
0x50: {  	_ =	shalt  }
0x51: {  	_ =	shalt  }
0x52: {  	_ =	shalt  }
0x53: {  	_ =	shalt  }
0x54: {  	_ =	shalt  }
0x55: {  	_ =	shalt  }
0x56: {  	_ =	shalt  }
0x57: {  	_ =	shalt  }
0x58: {  	_ =	shalt  }
0x59: {  	_ =	shalt  }
0x5a: {  	_ =	shalt  }
0x5b: {  	_ =	shalt  }
0x5c: {  	_ =	shalt  }
0x5d: {  	_ =	shalt  }
0x5e: {  	_ =	shalt  }
0x5f: {  	_ =	shalt  }
0x60: {  	_ =	shalt  }
0x61: {  	_ =	shalt  }
0x62: {  	_ =	shalt  }
0x63: {  	_ =	shalt  }
0x64: {  	_ =	shalt  }
0x65: {  	_ =	shalt  }
0x66: {  	_ =	shalt  }
0x67: {  	_ =	shalt  }
0x68: {  	_ =	shalt  }
0x69: {  	_ =	shalt  }
0x6a: {  	_ =	shalt  }
0x6b: {  	_ =	shalt  }
0x6c: {  	_ =	shalt  }
0x6d: {  	_ =	shalt  }
0x6e: {  	_ =	shalt  }
0x6f: {  	_ =	shalt  }
0x70: {  	_ =	shalt  }
0x71: {  	_ =	shalt  }
0x72: {  	_ =	shalt  }
0x73: {  	_ =	shalt  }
0x74: {  	_ =	shalt  }
0x75: {  	_ =	shalt  }
0x76: {  	_ =	shalt  }
0x77: {  	_ =	shalt  }
0x78: {  	_ =	shalt  }
0x79: {  	_ =	shalt  }
0x7a: {  	_ =	shalt  }
0x7b: {  	_ =	shalt  }
0x7c: {  	_ =	shalt  }
0x7d: {  	_ =	shalt  }
0x7e: {  	_ =	shalt  }
0x7f: {  	_ =	shalt  }
0x80: {  	_ =	shalt  }
0x81: {  	_ =	shalt  }
0x82: {  	_ =	shalt  }
0x83: {  	_ =	shalt  }
0x84: {  	_ =	shalt  }
0x85: {  	_ =	shalt  }
0x86: {  	_ =	shalt  }
0x87: {  	_ =	shalt  }
.Lfunc_end0:
.L_simem_size_0:
called_computation_lowered:
.L_overlay_start_0:
0x88: {  	s2 =	sld [smem:$0x3FD9]  }
0x89: {  	s3 =	sld [smem:$0x3FFE];
	_ =	sdelay $0x1  }
0x8a: {  	s1 =	srdreg.scid  }
0x8b: {  	s0 =	sand.u32 $0x1, s1  }
0x8c: {  	s17 =	sshll.u32 s0, $0xA;
	s2 =	sadd.s32 s3, s2  }
0x8d: {  	s2 =	sadd.s32 s2, s17  }
0x8e: {  	[smem:$0x3FBF] =	sst s2  }
0x8f: {  	_ = 	snop  }
0x90: {  	s4 =	sld [smem:$0x3FC8]  }
0x91: {  	s5 =	sld [smem:$0x3FC7]  }
0x92: {  	s18 =	sld [smem:$0x3FD0];
	(tm) =	ssettm $0x1  }
0x93: {  	s19 =	sld [smem:$0x3FFB];
	_ =	sdelay $0x3  }
0x94: {  	_ =	strace s19  }
0x95: {  	s2 =	sld [smem:$0x3FFC];
	_ =	sdelay $0x3  }
0x96: {  	_ =	strace s2  }
0x97: {  	s2 =	sld [smem:$0x3FFD];
	_ =	sdelay $0x3  }
0x98: {  	_ =	strace s2  }
0x99: {  	_ =	strace $0x8FFFFFFF  }
0x9a: {  	s20 =	sld [smem:$0x3FDB];
	_ =	sdelay $0x1  }
0x9b: {  	s6 =	simm.s32 $_scs_section_size  }
0x9c: {  	s7 =	simm.s32 $_size__tile_overlayer_lowered;
	s8 =	simm.s32 $_tile_overlayer_lowered  }
0x9d: {  	s9 =	simm.s32 $0x1BFF;
	s21 =	sshll.u32 s8, $0x1;
	s6 =	sadd.s32 s6, s20  }
0x9e: {  	s22 =	simm.s32 $0x0;
	s7 =	sshll.u32 s7, $0x1;
	s8 =	sadd.s32 s21, s6  }
0x9f: {  	[timem:s22], [sflag:s9] =	dma.local [hbm:s8], s7  }
0xa0: {  	_ =	swait.ge [sflag:s9], s7  }
0xa1: {  	s7 =	ssub.s32 $0x0, s7;
	[sflag:s9] =	ssyncset.done $0x0  }
0xa2: {  	[sflag:s9] =	ssyncadd.s32 s7;
	_ =	sdelay $0x1  }
0xa3: {  	s23 =	simm.s32 $0x1B8B  }
0xa4: {  	_ =	swait.ge [sflag:s23], $0x1  }
0xa5: {  	[sflag:s23] =	ssyncset.done $0x0  }
0xa6: {  	[sflag:s23] =	ssyncadd.s32 $0xFFFFFFFF  }
0xa7: {  	s7 =	sld [smem:$0x0]  }
0xa8: {  	s8 =	sand.u32 $0xFFFFFFFE, s1  }
0xa9: {  	p0 =	sne.s32 s1, s8  }
0xaa: {  	s8 =	sshll.u32 @p0 s8, $0xE  }
0xab: {  	s8 =	sadd.s32 @p0 $0x11B8D, s8;
	s9 =	sshll.u32 @p0 s7, $0x11  }
0xac: {  	s8 =	sor.u32 @p0 s9, s8  }
0xad: {  	[sflag:s8] =	ssyncadd.remote.s32 @p0 $0x1;
	_ =	sdelay $0x1  }
0xae: {  	s8 =	simm.s32 @p0 $0x1B8D  }
0xaf: {  	_ =	swait.eq @p0 [sflag:s8], $0x1  }
0xb0: {  	[sflag:s8] =	ssyncadd.s32 @p0 $0xFFFFFFFF  }
0xb1: {  	s9 =	sshll.u32 @!p0 s1, $0xE  }
0xb2: {  	s9 =	sor.u32 @!p0 $0x4000, s9;
	s8 =	simm.s32 @!p0 $0x1B8D  }
0xb3: {  	s7 =	sshll.u32 @!p0 s7, $0x11;
	s9 =	sadd.s32 @!p0 $0x11B8D, s9;
	_ =	swait.eq @!p0 [sflag:s8], $0x1  }
0xb4: {  	s7 =	sor.u32 @!p0 s7, s9;
	[sflag:s8] =	ssyncadd.s32 @!p0 $0xFFFFFFFF  }
0xb5: {  	s25 =	simm.s32 $0x1B8E;
	s24 =	sld [smem:$0x3FFE];
	[sflag:s7] =	ssyncadd.remote.s32 @!p0 $0x1  }
0xb6: {  	s26 =	simm.s32 $execute0_lowered;
	[smem:$0x3FD2] =	sst s25  }
0xb7: {  	s8 =	sshll.u32 s26, $0x1;
	_ =	strace $0x80000049;
	[dreg:$0x1] =	wrdreg $0xFFFFFFFF  }
0xb8: {  	s28 =	simm.s32 $_size_execute0_lowered;
	s6 =	sadd.s32 s6, s8;
	[dreg:$0x0] =	wrdreg $0x0  }
0xb9: {  	s8 =	sshll.u32 s28, $0x1;
	[dreg:$0x2] =	wrdreg s6  }
0xba: {  	[dreg:$0x3] =	wrdreg s8  }
0xbb: {  	[dreg:$0x4] =	wrdreg $0xC0  }
0xbc: {  	_ =	task [dreg:s22], $0x5FFFF  }
0xbd: {  	[dreg:$0x1] =	wrdreg $0xFFFFFFFF  }
0xbe: {  	[dreg:$0x0] =	wrdreg $0x60  }
0xbf: {  	[dreg:$0x2] =	wrdreg s4  }
0xc0: {  	[dreg:$0x3] =	wrdreg s5  }
0xc1: {  	[dreg:$0x4] =	wrdreg s24  }
0xc2: {  	[dreg:$0x5] =	wrdreg s18  }
0xc3: {  	[dreg:$0x6] =	wrdreg $0x9  }
0xc4: {  	_ =	task.clear_ibuf [dreg:s22], $0x7FFFF;
	_ =	strace $0x90000049  }
0xc5: {  	s29 =	simm.s32 $0x9;
	_ =	strace $0x8000004B  }
0xc6: {  	_ =	swait.ge [sflag:s29], $0x1  }
0xc7: {  	[sflag:s29] =	ssyncadd.s32 $0xFFFFFFFF  }
0xc8: {  	_ =	strace $0x9000004B  }
0xc9: {  	_ =	sfence  }
0xca: {  	s30 =	sld [smem:$0x0];
	_ =	sdelay $0x2  }
0xcb: {  	s31 =	sshll.u32 s1, $0xD;
	s1 =	sshrl.u32 s1, $0x2  }
0xcc: {  	s4 =	sand.u32 $0x4000, s31;
	s1 =	sadd.s32 s1, s30  }
0xcd: {  	s0 =	sor.u32 s4, s0;
	s1 =	sshll.u32 s1, $0x11  }
0xce: {  	s0 =	sor.u32 s1, s0  }
0xcf: {  	s0 =	sadd.s32 $0x8F2B, s0  }
0xd0: {  	[sflag:s0] =	ssyncadd.remote.s32 $0x1  }
0xd1: {  	_ =	sfence.sel $0xFFFF  }
0xd2: {  	[dreg:$0x0] =	wrdreg $0xFFFFFFFF;
	(pc) =	sbr.abs _section_cstart, $3  }
0xd3: {  	[dreg:$0x1] =	wrdreg $0xFFFFFFFF  }
0xd4: {  	_ =	task.clear_ibuf [dreg:s22], $0x2FFFF;
	_ =	strace $0x9FFFFFFF  }
0xd5: {  	(tm) =	ssettm $0x7FFFFFFF  }
tec
execute0_lowered:
.L_overlay_start_1:
0x0: {  	(tag) =	ssettag $0x1  }
0x1: {  	s1 =	rddreg [dreg:$0x0]  }
0x2: {  	s0 =	rddreg [dreg:$0x2]  }
0x3: {  	s2 =	rddreg [dreg:$0x3];
	s3 =	simm.s32 $0x0  }
0x4: {  	s5 =	srdreg.scid;
	s8 =	stileid.u32;
	s16 =	simm.s32 $0x9  }
0x5: {  	s17 =	simm.s32 $0x100;
	s18 =	simm.s32 $0x200;
	s19 =	simm.s32 $0x80  }
0x6: {  	s20 =	simm.s32 $0x300;
	s29 =	simm.s32 $0x1;
	s30 =	simm.s32 $0x3  }
0x7: {  	s31 =	simm.s32 $0x5;
	s28 =	simm.s32 $0x7;
	[smem:$0x7FF] =	sst s3  }
0x8: {  	s4 =	sadd.s32 $0x2C00, s0;
	s6 =	sadd.s32 $0x2400, s0;
	s5 =	sand.u32 $0x1, s5  }
0x9: {  	s7 =	sadd.s32 $0x43400, s0;
	s8 =	sshll.u32 s8, $0x9;
	s9 =	sshll.u32 s5, $0x8  }
0xa: {  	s0 =	sadd.s32 $0x63400, s0;
	s5 =	ssub.s32 $0x2, s5;
	s11 =	sor.u32 s9, s8  }
0xb: {  	_ =	strace $0x8000004A;
	s21 =	sshrl.u32 s5, $0x1;
	s9 =	sshrl.u32 s11, $0x3  }
0xc: {  	s13 =	sor.u32 $0x80, s11;
	s5 =	ssub.s32 s5, s21;
	s25 =	sshll.u32 s11, $0x4  }
0xd: {  	s21 =	simm.s32 $0x8300;
	s22 =	sadd.s32 s4, s9;
	s10 =	sshrl.u32 s13, $0x3  }
0xe: {  	s23 =	sadd.s32 s6, s9;
	s24 =	sadd.s32 s2, s9;
	s11 =	sadd.s32 s7, s25  }
0xf: {  	s12 =	sadd.s32 s0, s25;
	s26 =	sshll.u32 s13, $0x4;
	[dreg:$0x5] =	wrdreg s22  }
0x10: {  	s15 =	smax.u32 s5, $0x1;
	s25 =	simm.s32 $0x4300;
	[dreg:$0x6] =	wrdreg s23  }
0x11: {  	s5 =	simm.s32 $0x0;
	[dreg:$0x7] =	wrdreg s24;
	s4 =	sadd.s32 s4, s10  }
0x12: {  	s9 =	sadd.s32 s6, s10;
	s10 =	sadd.s32 s2, s10;
	s13 =	sadd.s32 s7, s26  }
0x13: {  	s14 =	sadd.s32 s0, s26;
	s23 =	simm.s32 $0x180;
	s24 =	simm.s32 $0x280  }
0x14: {  	s26 =	simm.s32 $0xC300;
	s0 =	simm.s32 $0x2;
	s22 =	simm.s32 $0x6  }
0x15: {  	s2 =	simm.s32 $0x8;
	[dreg:$0x8] =	wrdreg s4;
	s4 =	simm.s32 $0x4  }
.LBB2_1:
0x16: {  	s6 =	rddreg [dreg:$0x5]  }
0x17: {  	[tilespmem:s3], [sflag:$0x9] =	stream.linear.gather [hbm4b:s6+s3], $0x80, $0x38;
	[tilespmem:$0x18300] =	vst v63  }
0x18: {  	_ =	swait.ge [sflag:s16], $0x80  }
0x19: {  	[sflag:s16] =	ssyncset.done $0x0  }
0x1a: {  	s8 =	rddreg [dreg:$0x6];
	[sflag:s16] =	ssyncadd.s32 $0xFFFFFF80  }
0x1b: {  	[tilespmem:s17], [sflag:$0x9] =	stream.linear.gather [hbm4b:s8+s3], $0x80, $0x38;
	[tilespmem:$0x18300] =	vst v63  }
0x1c: {  	_ =	swait.ge [sflag:s16], $0x80  }
0x1d: {  	[sflag:s16] =	ssyncset.done $0x0  }
0x1e: {  	s7 =	rddreg [dreg:$0x7];
	[sflag:s16] =	ssyncadd.s32 $0xFFFFFF80  }
0x1f: {  	[tilespmem:s18], [sflag:$0x9] =	stream.linear.gather [hbm4b:s7+s3], $0x80, $0x38;
	[tilespmem:$0x18300] =	vst v63  }
0x20: {  	_ =	swait.ge [sflag:s16], $0x80  }
0x21: {  	[sflag:s16] =	ssyncset.done $0x0  }
0x22: {  	[sflag:s16] =	ssyncadd.s32 $0xFFFFFF80  }
0x23: {  	[tilespmem:s20], [sflag:$0x1] =	stream.indirect.gather [hbm4b:s1+s19], $0x80, s3, s19, $0xb8;
	[tilespmem:$0x18300] =	vst v63  }
0x24: {  	_ = 	snop  }
0x25: {  	[tilespmem:s21], [sflag:$0x3] =	stream.indirect.gather [hbm4b:s1+s19], $0x80, s17, s19, $0xb8;
	[tilespmem:$0x18300] =	vst v63  }
0x26: {  	s7 =	simm.s32 $0x10300;
	s6 =	rddreg [dreg:$0x1]  }
0x27: {  	[tilespmem:s7], [sflag:$0x5] =	stream.indirect.gather [hbm4b:s6+s19], $0x80, s18, s19, $0xb8;
	[tilespmem:$0x18300] =	vst v63  }
0x28: {  	s8 =	rddreg [dreg:$0x8]  }
0x29: {  	[tilespmem:s19], [sflag:$0x9] =	stream.linear.gather [hbm4b:s8+s3], $0x80, $0x38;
	[tilespmem:$0x18300] =	vst v63  }
0x2a: {  	_ =	swait.ge [sflag:s16], $0x80  }
0x2b: {  	[sflag:s16] =	ssyncset.done $0x0  }
0x2c: {  	[sflag:s16] =	ssyncadd.s32 $0xFFFFFF80  }
0x2d: {  	[tilespmem:s23], [sflag:$0x9] =	stream.linear.gather [hbm4b:s9+s3], $0x80, $0x38;
	[tilespmem:$0x18300] =	vst v63  }
0x2e: {  	_ =	swait.ge [sflag:s16], $0x80  }
0x2f: {  	[sflag:s16] =	ssyncset.done $0x0  }
0x30: {  	[sflag:s16] =	ssyncadd.s32 $0xFFFFFF80  }
0x31: {  	[tilespmem:s24], [sflag:$0x9] =	stream.linear.gather [hbm4b:s10+s3], $0x80, $0x38;
	[tilespmem:$0x18300] =	vst v63  }
0x32: {  	_ =	swait.ge [sflag:s16], $0x80  }
0x33: {  	[sflag:s16] =	ssyncset.done $0x0  }
0x34: {  	[sflag:s16] =	ssyncadd.s32 $0xFFFFFF80  }
0x35: {  	[tilespmem:s25], [sflag:$0x2] =	stream.indirect.gather [hbm4b:s1+s19], $0x80, s19, s19, $0xb8;
	[tilespmem:$0x18300] =	vst v63  }
0x36: {  	_ = 	snop  }
0x37: {  	[tilespmem:s26], [sflag:$0x4] =	stream.indirect.gather [hbm4b:s1+s19], $0x80, s23, s19, $0xb8;
	[tilespmem:$0x18300] =	vst v63  }
0x38: {  	s8 =	simm.s32 $0x14300  }
0x39: {  	[tilespmem:s8], [sflag:$0x6] =	stream.indirect.gather [hbm4b:s6+s19], $0x80, s24, s19, $0xb8;
	[tilespmem:$0x18300] =	vst v63  }
0x3a: {  	_ =	swait.ge [sflag:s29], $0x4000  }
0x3b: {  	[sflag:s29] =	ssyncset.done $0x0  }
0x3c: {  	[sflag:s29] =	ssyncadd.s32 $0xFFFFC000  }
0x3d: {  	[hbm4b:s11+s3] =	stream.linear.scatter [tilespmem:s20], [sflag:$0x7], $0x4000, $0x38;
	[tilespmem:$0x18300] =	vst v63  }
0x3e: {  	_ =	swait.ge [sflag:s30], $0x4000  }
0x3f: {  	[sflag:s30] =	ssyncset.done $0x0  }
0x40: {  	[sflag:s30] =	ssyncadd.s32 $0xFFFFC000  }
0x41: {  	_ =	swait.ge [sflag:s31], $0x4000  }
0x42: {  	[sflag:s31] =	ssyncset.done $0x0  }
0x43: {  	s6 =	simm.s32 $0x0;
	[sflag:s31] =	ssyncadd.s32 $0xFFFFC000  }
0x44: {  	v7 =	vld [tilespmem:s6+$0x10300]  }
0x45: {  	v11 =	vld [tilespmem:s6+$0x10310]  }
0x46: {  	v5 =	vld [tilespmem:s6+$0x10320]  }
0x47: {  	v4 =	vld [tilespmem:s6+$0x10330]  }
0x48: {  	v3 =	vld [tilespmem:s6+$0x10340]  }
0x49: {  	v2 =	vld [tilespmem:s6+$0x10350]  }
0x4a: {  	v1 =	vld [tilespmem:s6+$0x10360]  }
0x4b: {  	v0 =	vld [tilespmem:s6+$0x10370]  }
0x4c: {  	v12 =	vld [tilespmem:s6+$0x8300]  }
0x4d: {  	v13 =	vld [tilespmem:s6+$0x8310]  }
0x4e: {  	v10 =	vld [tilespmem:s6+$0x8320]  }
0x4f: {  	v9 =	vld [tilespmem:s6+$0x8330]  }
0x50: {  	v8 =	vld [tilespmem:s6+$0x8340]  }
0x51: {  	v6 =	vld [tilespmem:s6+$0x8350];
	v12 =	vmul.f32 v7, v12  }
0x52: {  	s7 =	simm.s32 $0x200;
	v11 =	vmul.f32 v11, v13;
	v7 =	vld [tilespmem:s6+$0x8360]  }
.LBB2_2:
0x53: {  	s8 =	sshra.s32 s7, $0x2;
	p0 =	sne.s32 s7, $0xFE00;
	[tilespmem:s6+$0x8300] =	vst v12;
	v5 =	vmul.f32 v5, v10;
	v10 =	vld [tilespmem:s6+$0x8370]  }
0x54: {  	v12 =	vld [tilespmem:s8+$0x10300];
	[tilespmem:s6+$0x8310] =	vst v11;
	v4 =	vmul.f32 v4, v9  }
0x55: {  	v11 =	vld [tilespmem:s8+$0x10310];
	[tilespmem:s6+$0x8320] =	vst v5;
	v3 =	vmul.f32 v3, v8  }
0x56: {  	v5 =	vld [tilespmem:s8+$0x10320];
	[tilespmem:s6+$0x8330] =	vst v4;
	v2 =	vmul.f32 v2, v6  }
0x57: {  	v4 =	vld [tilespmem:s8+$0x10330];
	[tilespmem:s6+$0x8340] =	vst v3;
	v1 =	vmul.f32 v1, v7  }
0x58: {  	v3 =	vld [tilespmem:s8+$0x10340];
	[tilespmem:s6+$0x8350] =	vst v2;
	v0 =	vmul.f32 v0, v10  }
0x59: {  	v2 =	vld [tilespmem:s8+$0x10350];
	[tilespmem:s6+$0x8360] =	vst v1  }
0x5a: {  	v1 =	vld [tilespmem:s8+$0x10360];
	[tilespmem:s6+$0x8370] =	vst v0;
	s6 =	smov.u32 s8  }
0x5b: {  	v0 =	vld [tilespmem:s6+$0x10370]  }
0x5c: {  	v6 =	vld [tilespmem:s6+$0x8300]  }
0x5d: {  	v7 =	vld [tilespmem:s6+$0x8310]  }
.Ltmp0:
0x5e: {  	v10 =	vld [tilespmem:s6+$0x8320];
	(pc) =	sbr.rel @p0 .LBB2_2-.Ltmp0, $4  }
0x5f: {  	v9 =	vld [tilespmem:s6+$0x8330]  }
0x60: {  	v8 =	vld [tilespmem:s6+$0x8340]  }
0x61: {  	v12 =	vmul.f32 v12, v6;
	v6 =	vld [tilespmem:s6+$0x8350]  }
0x62: {  	s7 =	sadd.s32 $0x200, s7;
	v11 =	vmul.f32 v11, v7;
	v7 =	vld [tilespmem:s6+$0x8360]  }
0x63: {  	[tilespmem:s6+$0x8300] =	vst v12;
	v5 =	vmul.f32 v5, v10;
	v10 =	vld [tilespmem:s6+$0x8370]  }
0x64: {  	[tilespmem:s6+$0x8310] =	vst v11;
	v4 =	vmul.f32 v4, v9  }
0x65: {  	[tilespmem:s6+$0x8320] =	vst v5;
	v3 =	vmul.f32 v3, v8  }
0x66: {  	[tilespmem:s6+$0x8330] =	vst v4;
	v2 =	vmul.f32 v2, v6  }
0x67: {  	[tilespmem:s6+$0x8340] =	vst v3;
	v1 =	vmul.f32 v1, v7  }
0x68: {  	[tilespmem:s6+$0x8350] =	vst v2;
	v0 =	vmul.f32 v0, v10  }
0x69: {  	[tilespmem:s6+$0x8360] =	vst v1  }
0x6a: {  	s8 =	simm.s32 $0x0;
	[tilespmem:s6+$0x8370] =	vst v0  }
0x6b: {  	[hbm4b:s12+s8] =	stream.linear.scatter [tilespmem:s21], [sflag:$0x8], $0x4000, $0x38;
	[tilespmem:$0x18300] =	vst v63  }
0x6c: {  	_ =	swait.ge [sflag:s0], $0x4000  }
0x6d: {  	[sflag:s0] =	ssyncset.done $0x0  }
0x6e: {  	[sflag:s0] =	ssyncadd.s32 $0xFFFFC000  }
0x6f: {  	[hbm4b:s13+s8] =	stream.linear.scatter [tilespmem:s25], [sflag:$0x7], $0x4000, $0x38;
	[tilespmem:$0x18300] =	vst v63  }
0x70: {  	_ =	swait.ge [sflag:s4], $0x4000  }
0x71: {  	[sflag:s4] =	ssyncset.done $0x0  }
0x72: {  	[sflag:s4] =	ssyncadd.s32 $0xFFFFC000  }
0x73: {  	_ =	swait.ge [sflag:s22], $0x4000  }
0x74: {  	[sflag:s22] =	ssyncset.done $0x0  }
0x75: {  	s6 =	simm.s32 $0x0;
	[sflag:s22] =	ssyncadd.s32 $0xFFFFC000  }
0x76: {  	v7 =	vld [tilespmem:s6+$0x14300]  }
0x77: {  	v11 =	vld [tilespmem:s6+$0x14310]  }
0x78: {  	v5 =	vld [tilespmem:s6+$0x14320]  }
0x79: {  	v4 =	vld [tilespmem:s6+$0x14330]  }
0x7a: {  	v3 =	vld [tilespmem:s6+$0x14340]  }
0x7b: {  	v2 =	vld [tilespmem:s6+$0x14350]  }
0x7c: {  	v1 =	vld [tilespmem:s6+$0x14360]  }
0x7d: {  	v0 =	vld [tilespmem:s6+$0x14370]  }
0x7e: {  	v12 =	vld [tilespmem:s6+$0xC300]  }
0x7f: {  	v13 =	vld [tilespmem:s6+$0xC310]  }
0x80: {  	v10 =	vld [tilespmem:s6+$0xC320]  }
0x81: {  	v9 =	vld [tilespmem:s6+$0xC330]  }
0x82: {  	v8 =	vld [tilespmem:s6+$0xC340]  }
0x83: {  	v6 =	vld [tilespmem:s6+$0xC350];
	v12 =	vmul.f32 v7, v12  }
0x84: {  	s7 =	simm.s32 $0x200;
	v11 =	vmul.f32 v11, v13;
	v7 =	vld [tilespmem:s6+$0xC360]  }
.LBB2_4:
0x85: {  	s8 =	sshra.s32 s7, $0x2;
	p0 =	sne.s32 s7, $0xFE00;
	[tilespmem:s6+$0xC300] =	vst v12;
	v5 =	vmul.f32 v5, v10;
	v10 =	vld [tilespmem:s6+$0xC370]  }
0x86: {  	v12 =	vld [tilespmem:s8+$0x14300];
	[tilespmem:s6+$0xC310] =	vst v11;
	v4 =	vmul.f32 v4, v9  }
0x87: {  	v11 =	vld [tilespmem:s8+$0x14310];
	[tilespmem:s6+$0xC320] =	vst v5;
	v3 =	vmul.f32 v3, v8  }
0x88: {  	v5 =	vld [tilespmem:s8+$0x14320];
	[tilespmem:s6+$0xC330] =	vst v4;
	v2 =	vmul.f32 v2, v6  }
0x89: {  	v4 =	vld [tilespmem:s8+$0x14330];
	[tilespmem:s6+$0xC340] =	vst v3;
	v1 =	vmul.f32 v1, v7  }
0x8a: {  	v3 =	vld [tilespmem:s8+$0x14340];
	[tilespmem:s6+$0xC350] =	vst v2;
	v0 =	vmul.f32 v0, v10  }
0x8b: {  	v2 =	vld [tilespmem:s8+$0x14350];
	[tilespmem:s6+$0xC360] =	vst v1  }
0x8c: {  	v1 =	vld [tilespmem:s8+$0x14360];
	[tilespmem:s6+$0xC370] =	vst v0;
	s6 =	smov.u32 s8  }
0x8d: {  	v0 =	vld [tilespmem:s6+$0x14370]  }
0x8e: {  	v6 =	vld [tilespmem:s6+$0xC300]  }
0x8f: {  	v7 =	vld [tilespmem:s6+$0xC310]  }
.Ltmp1:
0x90: {  	v10 =	vld [tilespmem:s6+$0xC320];
	(pc) =	sbr.rel @p0 .LBB2_4-.Ltmp1, $4  }
0x91: {  	v9 =	vld [tilespmem:s6+$0xC330]  }
0x92: {  	v8 =	vld [tilespmem:s6+$0xC340]  }
0x93: {  	v12 =	vmul.f32 v12, v6;
	v6 =	vld [tilespmem:s6+$0xC350]  }
0x94: {  	s7 =	sadd.s32 $0x200, s7;
	v11 =	vmul.f32 v11, v7;
	v7 =	vld [tilespmem:s6+$0xC360]  }
0x95: {  	[tilespmem:s6+$0xC300] =	vst v12;
	v5 =	vmul.f32 v5, v10;
	v63 =	vld [tilespmem:s6+$0xC370]  }
0x96: {  	[tilespmem:s6+$0xC310] =	vst v11;
	v4 =	vmul.f32 v4, v9  }
0x97: {  	[tilespmem:s6+$0xC320] =	vst v5;
	v3 =	vmul.f32 v3, v8  }
0x98: {  	[tilespmem:s6+$0xC330] =	vst v4;
	v2 =	vmul.f32 v2, v6  }
0x99: {  	[tilespmem:s6+$0xC340] =	vst v3;
	v1 =	vmul.f32 v1, v7  }
0x9a: {  	[tilespmem:s6+$0xC350] =	vst v2;
	v0 =	vmul.f32 v0, v63  }
0x9b: {  	[tilespmem:s6+$0xC360] =	vst v1  }
0x9c: {  	[tilespmem:s6+$0xC370] =	vst v0  }
0x9d: {  	[hbm4b:s14+s3] =	stream.linear.scatter [tilespmem:s26], [sflag:$0x8], $0x4000, $0x38;
	[tilespmem:$0x18300] =	vst v63  }
0x9e: {  	_ =	swait.ge [sflag:s28], $0x4000  }
0x9f: {  	[sflag:s28] =	ssyncset.done $0x0  }
0xa0: {  	[sflag:s28] =	ssyncadd.s32 $0xFFFFC000  }
0xa1: {  	_ =	swait.ge [sflag:s2], $0x4000  }
0xa2: {  	[sflag:s2] =	ssyncset.done $0x0  }
0xa3: {  	s5 =	sadd.s32 $0x1, s5;
	[sflag:s2] =	ssyncadd.s32 $0xFFFFC000  }
0xa4: {  	p0 =	sne.s32 s5, s15;
	_ =	swait.ge [sflag:s28], $0x4000  }
.Ltmp2:
0xa5: {  	[sflag:s28] =	ssyncset.done $0x0;
	(pc) =	sbr.rel @p0 .LBB2_1-.Ltmp2, $4  }
0xa6: {  	[sflag:s28] =	ssyncadd.s32 $0xFFFFC000  }
0xa7: {  	_ =	swait.ge [sflag:s2], $0x4000  }
0xa8: {  	[sflag:s2] =	ssyncset.done $0x0  }
0xa9: {  	[sflag:s2] =	ssyncadd.s32 $0xFFFFC000  }
0xaa: {  	_ =	sfence.sel $0x180000  }
0xab: {  	[bflag:$0x0] =	sbarrier.arrive $0xFFFF  }
0xac: {  	_ =	strace $0x9000004A  }
0xad: {  	s0 =	stileid.u32;
	[bflag:$0x2] =	sbarrier.arrive $0xFFFF  }
0xae: {  	p0 =	sne.s32 s0, $0x0;
	s0 =	rddreg [dreg:$0x4]  }
0xaf: {  	s0 =	sadd.s32 @!p0 $0x100000, s0  }
0xb0: {  	[sflag:s0] =	ssyncadd.tile.s32 @!p0 $0x1;
	_ =	shalt  }
.Lfunc_end2:
_tile_overlayer_lowered:
.L_overlay_start_2:
0xb1: {  	(tag) =	ssettag $0x2  }
0xb2: {  	s0 =	rddreg [dreg:$0x0];
	s2 =	stileid.u32  }
0xb3: {  	s1 =	rddreg [dreg:$0x1];
	p0 =	sne.s32 s2, $0x0  }
0xb4: {  	s3 =	rddreg [dreg:$0x2];
	[bflag:$0x3] =	sbarrier.arrive $0xFFFF;
	s2 =	simm.s32 @!p0 $0x1C09  }
0xb5: {  	[timem:s3], [sflag:s2] =	dma.local @!p0 [hbm:s0], s1  }
0xb6: {  	s0 =	simm.s32 @!p0 $0x9  }
0xb7: {  	_ =	swait.ge @!p0 [sflag:s0], s1  }
0xb8: {  	s1 =	ssub.s32 @!p0 $0x0, s1;
	[sflag:s0] =	ssyncset.done @!p0 $0x0  }
0xb9: {  	[sflag:s0] =	ssyncadd.s32 @!p0 s1  }
0xba: {  	[bflag:$0x3] =	sbarrier.arrive $0xFFFF  }
0xbb: {  	_ =	shalt  }

// kernel: kernel.9.cloned.1.call-start
scs
__scs_entry_jumppad:
0x0: {  	(pc) =	sbr.rel $0x88, $3  }
0x1: {  	(tag) =	ssettag $0x0;
	lr =	simm.s32 $0x1  }
0x2: {  	[smem:$0x3F98] =	sst lr;
	_ =	strace $0xD0000000  }
0x3: {  	_ = 	snop  }
0x4: {  	_ = 	snop  }
0x5: {  	_ = 	snop  }
0x6: {  	_ = 	snop  }
0x7: {  	_ = 	snop  }
__scs_overlays_trampoline_lowered:
0x8: {  	[smem:$0x3FA7] =	sst s0  }
0x9: {  	[smem:$0x3FA8] =	sst s1  }
0xa: {  	[smem:$0x3FA9] =	sst s2  }
0xb: {  	[smem:$0x3FAA] =	sst s3  }
0xc: {  	[smem:$0x3FAB] =	sst s4  }
0xd: {  	[smem:$0x3FAC] =	sst s5  }
0xe: {  	[smem:$0x3FAD] =	sst s6  }
0xf: {  	[smem:$0x3FAE] =	sst s7  }
0x10: {  	[smem:$0x3FAF] =	sst s8  }
0x11: {  	[smem:$0x3FB0] =	sst s9;
	s0 =	simm.s32 @!p0 $0x0  }
0x12: {  	s1 =	sld [smem:$0x3F96];
	s0 =	simm.s32 @p0 $0x1  }
0x13: {  	[smem:$0x3FB1] =	sst s0;
	s0 =	simm.s32 @!p1 $0x0  }
0x14: {  	s2 =	sld [smem:$0x3F95];
	s0 =	simm.s32 @p1 $0x1  }
0x15: {  	[smem:$0x3FB2] =	sst s0;
	s0 =	simm.s32 @!p2 $0x0  }
0x16: {  	s3 =	sld [smem:$0x3FDB];
	s0 =	simm.s32 @p2 $0x1  }
0x17: {  	s4 =	simm.s32 $0x1BF5;
	[smem:$0x3FB4] =	sst s0  }
0x18: {  	s0 =	sld [smem:$0x3F97];
	_ =	swait.ge [sflag:s4], $0x0  }
0x19: {  	s7 =	sld [smem:$0x3F98]  }
0x1a: {  	s8 =	sadd.s32 $0xFFFFE003, lr  }
0x1b: {  	s9 =	sadd.s32 $0xFFFFFEF7, lr;
	s5 =	simm.s32 $0xFFFFFFFF;
	p2 =	slt.u32 s8, $0xFFFFF086  }
0x1c: {  	p1 =	slt.u32 s9, $0xF7A;
	s5 =	simm.s32 @!p2 $0x0  }
0x1d: {  	s5 =	simm.s32 @p1 $0x1;
	p0 =	seq.s32 s7, s2  }
0x1e: {  	s7 =	smul.u32 @!p0 $0xF7A, s2;
	p2 =	seq.s32 @!p0 s5, $0x0  }
0x1f: {  	s9 =	smul.u32 $0xF7A, s1;
	s8 =	simm.s32 @!p0 $0x1BF5;
	p2 =	por !p2, p0  }
0x20: {  	[sflag:s8] =	ssyncset.s32 @!p0 $0xFFFFF086;
	s6 =	sadd.s32 @!p0 s3, s7;
	s7 =	simm.s32 @!p0 $0x108  }
0x21: {  	s3 =	sadd.s32 s3, s9;
	s6 =	sadd.s32 @!p0 $0x88, s6;
	s7 =	simm.s32 @p2 $0x1082  }
0x22: {  	[simem:s7], [sflag:s8] =	dma.local @!p0 [hbm:s6], $0xF7A  }
0x23: {  	s9 =	sor.u32 $0xD0000000, s2;
	s6 =	simm.s32 $0x108;
	_ =	swait.ge @!p0 [sflag:s8], $0x0  }
0x24: {  	s3 =	sadd.s32 $0x88, s3;
	s6 =	simm.s32 @!p1 $0x1082;
	[sflag:s4] =	ssyncset.s32 $0xFFFFF086  }
0x25: {  	[simem:s6], [sflag:s4] =	dma.local [hbm:s3], $0xF7A  }
0x26: {  	[smem:$0x3F98] =	sst s1;
	(tag) =	ssettag s2;
	_ =	strace s9  }
0x27: {  	s1 =	sld [smem:$0x3FA8]  }
0x28: {  	s2 =	sld [smem:$0x3FA9]  }
0x29: {  	s4 =	sld [smem:$0x3FAB]  }
0x2a: {  	p0 =	seq.s32 s5, $0x0;
	s5 =	sld [smem:$0x3FAC]  }
0x2b: {  	s6 =	sld [smem:$0x3FAD]  }
0x2c: {  	s7 =	sld [smem:$0x3FAE]  }
0x2d: {  	s3 =	simm.s32 $0x108;
	s8 =	sld [smem:$0x3FAF]  }
0x2e: {  	s3 =	simm.s32 @!p0 $0x1082;
	s9 =	sld [smem:$0x3FB0]  }
0x2f: {  	lr =	sadd.s32 s0, s3;
	s0 =	sld [smem:$0x3FA7]  }
0x30: {  	s3 =	sld [smem:$0x3FAA]  }
0x31: {  	[smem:$0x3FB3] =	sst s10  }
0x32: {  	s10 =	sld [smem:$0x3FB1];
	_ =	sdelay $0x3  }
0x33: {  	p0 =	seq.s32 s10, $0x1;
	s10 =	sld [smem:$0x3FB3];
	_ =	sdelay $0x3  }
0x34: {  	[smem:$0x3FB3] =	sst s10  }
0x35: {  	s10 =	sld [smem:$0x3FB2];
	_ =	sdelay $0x3  }
0x36: {  	p1 =	seq.s32 s10, $0x1;
	s10 =	sld [smem:$0x3FB3];
	_ =	sdelay $0x3  }
0x37: {  	[smem:$0x3FB3] =	sst s10  }
0x38: {  	s10 =	sld [smem:$0x3FB4]  }
0x39: {  	_ = 	snop;
	(pc) =	sbr.ind lr, $3  }
0x3a: {  	_ = 	snop  }
0x3b: {  	_ = 	snop  }
0x3c: {  	p2 =	seq.s32 s10, $0x1;
	s10 =	sld [smem:$0x3FB3]  }
0x3d: {  	_ =	shalt  }
0x3e: {  	_ =	shalt  }
0x3f: {  	_ =	shalt  }
0x40: {  	_ =	shalt  }
0x41: {  	_ =	shalt  }
0x42: {  	_ =	shalt  }
0x43: {  	_ =	shalt  }
0x44: {  	_ =	shalt  }
0x45: {  	_ =	shalt  }
0x46: {  	_ =	shalt  }
0x47: {  	_ =	shalt  }
0x48: {  	_ =	shalt  }
0x49: {  	_ =	shalt  }
0x4a: {  	_ =	shalt  }
0x4b: {  	_ =	shalt  }
0x4c: {  	_ =	shalt  }
0x4d: {  	_ =	shalt  }
0x4e: {  	_ =	shalt  }
0x4f: {  	_ =	shalt  }
0x50: {  	_ =	shalt  }
0x51: {  	_ =	shalt  }
0x52: {  	_ =	shalt  }
0x53: {  	_ =	shalt  }
0x54: {  	_ =	shalt  }
0x55: {  	_ =	shalt  }
0x56: {  	_ =	shalt  }
0x57: {  	_ =	shalt  }
0x58: {  	_ =	shalt  }
0x59: {  	_ =	shalt  }
0x5a: {  	_ =	shalt  }
0x5b: {  	_ =	shalt  }
0x5c: {  	_ =	shalt  }
0x5d: {  	_ =	shalt  }
0x5e: {  	_ =	shalt  }
0x5f: {  	_ =	shalt  }
0x60: {  	_ =	shalt  }
0x61: {  	_ =	shalt  }
0x62: {  	_ =	shalt  }
0x63: {  	_ =	shalt  }
0x64: {  	_ =	shalt  }
0x65: {  	_ =	shalt  }
0x66: {  	_ =	shalt  }
0x67: {  	_ =	shalt  }
0x68: {  	_ =	shalt  }
0x69: {  	_ =	shalt  }
0x6a: {  	_ =	shalt  }
0x6b: {  	_ =	shalt  }
0x6c: {  	_ =	shalt  }
0x6d: {  	_ =	shalt  }
0x6e: {  	_ =	shalt  }
0x6f: {  	_ =	shalt  }
0x70: {  	_ =	shalt  }
0x71: {  	_ =	shalt  }
0x72: {  	_ =	shalt  }
0x73: {  	_ =	shalt  }
0x74: {  	_ =	shalt  }
0x75: {  	_ =	shalt  }
0x76: {  	_ =	shalt  }
0x77: {  	_ =	shalt  }
0x78: {  	_ =	shalt  }
0x79: {  	_ =	shalt  }
0x7a: {  	_ =	shalt  }
0x7b: {  	_ =	shalt  }
0x7c: {  	_ =	shalt  }
0x7d: {  	_ =	shalt  }
0x7e: {  	_ =	shalt  }
0x7f: {  	_ =	shalt  }
0x80: {  	_ =	shalt  }
0x81: {  	_ =	shalt  }
0x82: {  	_ =	shalt  }
0x83: {  	_ =	shalt  }
0x84: {  	_ =	shalt  }
0x85: {  	_ =	shalt  }
0x86: {  	_ =	shalt  }
0x87: {  	_ =	shalt  }
.Lfunc_end0:
.L_simem_size_0:
called_computation.1_lowered:
.L_overlay_start_0:
0x88: {  	s2 =	sld [smem:$0x3FD9]  }
0x89: {  	s3 =	sld [smem:$0x3FFE];
	_ =	sdelay $0x1  }
0x8a: {  	s1 =	srdreg.scid  }
0x8b: {  	s0 =	sand.u32 $0x1, s1  }
0x8c: {  	s17 =	sshll.u32 s0, $0xA;
	s2 =	sadd.s32 s3, s2  }
0x8d: {  	s2 =	sadd.s32 s2, s17  }
0x8e: {  	[smem:$0x3FBF] =	sst s2  }
0x8f: {  	_ = 	snop  }
0x90: {  	s2 =	sld [smem:$0x3FC8]  }
0x91: {  	s18 =	sld [smem:$0x3FC7]  }
0x92: {  	s4 =	sld [smem:$0x3FD0];
	(tm) =	ssettm $0x1  }
0x93: {  	s5 =	sld [smem:$0x3FFB];
	_ =	sdelay $0x3  }
0x94: {  	_ =	strace s5  }
0x95: {  	s5 =	sld [smem:$0x3FFC];
	_ =	sdelay $0x3  }
0x96: {  	_ =	strace s5  }
0x97: {  	s5 =	sld [smem:$0x3FFD];
	_ =	sdelay $0x3  }
0x98: {  	_ =	strace s5  }
0x99: {  	_ =	strace $0x8FFFFFFF  }
0x9a: {  	s19 =	sld [smem:$0x3FDB];
	_ =	sdelay $0x1  }
0x9b: {  	s6 =	simm.s32 $_scs_section_size  }
0x9c: {  	s7 =	simm.s32 $_size__tile_overlayer_lowered;
	s8 =	simm.s32 $_tile_overlayer_lowered  }
0x9d: {  	s22 =	simm.s32 $0x1BFF;
	s21 =	sshll.u32 s8, $0x1;
	s5 =	sadd.s32 s6, s19  }
0x9e: {  	s9 =	simm.s32 $0x0;
	s20 =	sshll.u32 s7, $0x1;
	s7 =	sadd.s32 s21, s5  }
0x9f: {  	[timem:s9], [sflag:s22] =	dma.local [hbm:s7], s20  }
0xa0: {  	_ =	swait.ge [sflag:s22], s20  }
0xa1: {  	s6 =	ssub.s32 $0x0, s20;
	[sflag:s22] =	ssyncset.done $0x0  }
0xa2: {  	[sflag:s22] =	ssyncadd.s32 s6;
	_ =	sdelay $0x1  }
0xa3: {  	s23 =	simm.s32 $0x1B8B  }
0xa4: {  	_ =	swait.ge [sflag:s23], $0x1  }
0xa5: {  	[sflag:s23] =	ssyncset.done $0x0  }
0xa6: {  	s25 =	simm.s32 $0x1B8E;
	s24 =	sld [smem:$0x3FFE];
	[sflag:s23] =	ssyncadd.s32 $0xFFFFFFFF  }
0xa7: {  	s26 =	simm.s32 $execute0_lowered;
	[smem:$0x3FD2] =	sst s25  }
0xa8: {  	s7 =	sshll.u32 s26, $0x1;
	_ =	strace $0x80000046;
	[dreg:$0x1] =	wrdreg $0xFFFFFFFF  }
0xa9: {  	s28 =	simm.s32 $_size_execute0_lowered;
	s5 =	sadd.s32 s5, s7;
	[dreg:$0x0] =	wrdreg $0x0  }
0xaa: {  	s7 =	sshll.u32 s28, $0x1;
	[dreg:$0x2] =	wrdreg s5  }
0xab: {  	[dreg:$0x3] =	wrdreg s7  }
0xac: {  	[dreg:$0x4] =	wrdreg $0xC0  }
0xad: {  	_ =	task [dreg:s9], $0x5FFFF  }
0xae: {  	[dreg:$0x1] =	wrdreg $0xFFFFFFFF  }
0xaf: {  	[dreg:$0x0] =	wrdreg $0x60  }
0xb0: {  	[dreg:$0x2] =	wrdreg s2  }
0xb1: {  	[dreg:$0x3] =	wrdreg s18  }
0xb2: {  	[dreg:$0x4] =	wrdreg s24  }
0xb3: {  	[dreg:$0x5] =	wrdreg s4  }
0xb4: {  	[dreg:$0x6] =	wrdreg $0xA  }
0xb5: {  	_ =	task.clear_ibuf [dreg:s9], $0x7FFFF;
	_ =	strace $0x90000046  }
0xb6: {  	s29 =	simm.s32 $0xA;
	_ =	strace $0x80000048  }
0xb7: {  	_ =	swait.ge [sflag:s29], $0x1  }
0xb8: {  	[sflag:s29] =	ssyncadd.s32 $0xFFFFFFFF  }
0xb9: {  	_ =	strace $0x90000048  }
0xba: {  	_ =	sfence  }
0xbb: {  	s30 =	sld [smem:$0x0];
	_ =	sdelay $0x2  }
0xbc: {  	s31 =	sshll.u32 s1, $0xD;
	s1 =	sshrl.u32 s1, $0x2  }
0xbd: {  	s3 =	sand.u32 $0x4000, s31;
	s1 =	sadd.s32 s1, s30  }
0xbe: {  	s0 =	sor.u32 s3, s0;
	s1 =	sshll.u32 s1, $0x11  }
0xbf: {  	s0 =	sor.u32 s1, s0  }
0xc0: {  	s0 =	sadd.s32 $0x8F2B, s0  }
0xc1: {  	[sflag:s0] =	ssyncadd.remote.s32 $0x1  }
0xc2: {  	_ =	sfence.sel $0xFFFF  }
0xc3: {  	[dreg:$0x0] =	wrdreg $0xFFFFFFFF;
	(pc) =	sbr.abs _section_cstart, $3  }
0xc4: {  	[dreg:$0x1] =	wrdreg $0xFFFFFFFF  }
0xc5: {  	_ =	task.clear_ibuf [dreg:s9], $0x2FFFF;
	_ =	strace $0x9FFFFFFF  }
0xc6: {  	(tm) =	ssettm $0x7FFFFFFF  }
0xc7: {  	_ =	shalt  }
tec
execute0_lowered:
.L_overlay_start_1:
0x0: {  	(tag) =	ssettag $0x1  }
0x1: {  	s1 =	rddreg [dreg:$0x0]  }
0x2: {  	s0 =	rddreg [dreg:$0x2]  }
0x3: {  	s2 =	rddreg [dreg:$0x3];
	s4 =	simm.s32 $0x0  }
0x4: {  	s3 =	srdreg.scid;
	s5 =	stileid.u32;
	s16 =	simm.s32 $0x9  }
0x5: {  	s17 =	simm.s32 $0x100;
	s18 =	simm.s32 $0x200;
	s19 =	simm.s32 $0x80  }
0x6: {  	s20 =	simm.s32 $0x300;
	s29 =	simm.s32 $0x1;
	s30 =	simm.s32 $0x3  }
0x7: {  	s31 =	simm.s32 $0x5;
	s28 =	simm.s32 $0x7;
	[smem:$0x7FF] =	sst s4  }
0x8: {  	s3 =	sand.u32 $0x1, s3;
	s5 =	sshll.u32 s5, $0x9;
	s7 =	sadd.s32 $0x2C00, s0  }
0x9: {  	s9 =	sadd.s32 $0x2400, s0;
	s21 =	sadd.s32 $0x3400, s0;
	s6 =	sshll.u32 s3, $0x8  }
0xa: {  	s0 =	sadd.s32 $0x23400, s0;
	s3 =	ssub.s32 $0x2, s3;
	s5 =	sor.u32 s6, s5  }
0xb: {  	_ =	strace $0x80000047;
	s10 =	sshrl.u32 s3, $0x1;
	s8 =	sshrl.u32 s5, $0x3  }
0xc: {  	s3 =	ssub.s32 s3, s10;
	s26 =	sshll.u32 s5, $0x4;
	s5 =	simm.s32 $0x0  }
0xd: {  	s11 =	sor.u32 $0x400, s8;
	s23 =	sor.u32 $0x410, s8;
	s12 =	sadd.s32 s0, s26  }
0xe: {  	s15 =	smax.u32 s3, $0x1;
	s3 =	simm.s32 $0x4;
	s22 =	sadd.s32 s7, s11  }
0xf: {  	s24 =	sadd.s32 s9, s11;
	s25 =	sadd.s32 s2, s11;
	s7 =	sadd.s32 s7, s23  }
0x10: {  	s9 =	sadd.s32 s9, s23;
	s10 =	sadd.s32 s2, s23;
	[dreg:$0x5] =	wrdreg s22  }
0x11: {  	s11 =	sadd.s32 s21, s26;
	s2 =	sor.u32 $0x800, s26;
	[dreg:$0x6] =	wrdreg s24  }
0x12: {  	s23 =	simm.s32 $0x180;
	s26 =	simm.s32 $0xC300;
	[dreg:$0x7] =	wrdreg s25  }
0x13: {  	[dreg:$0x8] =	wrdreg s7;
	s13 =	sadd.s32 s21, s2;
	s14 =	sadd.s32 s0, s2  }
0x14: {  	s21 =	simm.s32 $0x8300;
	s24 =	simm.s32 $0x280;
	s25 =	simm.s32 $0x4300  }
0x15: {  	s0 =	simm.s32 $0x2;
	s22 =	simm.s32 $0x6;
	s2 =	simm.s32 $0x8  }
.LBB2_1:
0x16: {  	s6 =	rddreg [dreg:$0x5]  }
0x17: {  	[tilespmem:s4], [sflag:$0x9] =	stream.linear.gather [hbm4b:s6+s4], $0x80, $0x38;
	[tilespmem:$0x18300] =	vst v63  }
0x18: {  	_ =	swait.ge [sflag:s16], $0x80  }
0x19: {  	[sflag:s16] =	ssyncset.done $0x0  }
0x1a: {  	s8 =	rddreg [dreg:$0x6];
	[sflag:s16] =	ssyncadd.s32 $0xFFFFFF80  }
0x1b: {  	[tilespmem:s17], [sflag:$0x9] =	stream.linear.gather [hbm4b:s8+s4], $0x80, $0x38;
	[tilespmem:$0x18300] =	vst v63  }
0x1c: {  	_ =	swait.ge [sflag:s16], $0x80  }
0x1d: {  	[sflag:s16] =	ssyncset.done $0x0  }
0x1e: {  	s7 =	rddreg [dreg:$0x7];
	[sflag:s16] =	ssyncadd.s32 $0xFFFFFF80  }
0x1f: {  	[tilespmem:s18], [sflag:$0x9] =	stream.linear.gather [hbm4b:s7+s4], $0x80, $0x38;
	[tilespmem:$0x18300] =	vst v63  }
0x20: {  	_ =	swait.ge [sflag:s16], $0x80  }
0x21: {  	[sflag:s16] =	ssyncset.done $0x0  }
0x22: {  	[sflag:s16] =	ssyncadd.s32 $0xFFFFFF80  }
0x23: {  	[tilespmem:s20], [sflag:$0x1] =	stream.indirect.gather [hbm4b:s1+s19], $0x80, s4, s19, $0xb8;
	[tilespmem:$0x18300] =	vst v63  }
0x24: {  	_ = 	snop  }
0x25: {  	[tilespmem:s21], [sflag:$0x3] =	stream.indirect.gather [hbm4b:s1+s19], $0x80, s17, s19, $0xb8;
	[tilespmem:$0x18300] =	vst v63  }
0x26: {  	s7 =	simm.s32 $0x10300;
	s6 =	rddreg [dreg:$0x1]  }
0x27: {  	[tilespmem:s7], [sflag:$0x5] =	stream.indirect.gather [hbm4b:s6+s19], $0x80, s18, s19, $0xb8;
	[tilespmem:$0x18300] =	vst v63  }
0x28: {  	s8 =	rddreg [dreg:$0x8]  }
0x29: {  	[tilespmem:s19], [sflag:$0x9] =	stream.linear.gather [hbm4b:s8+s4], $0x80, $0x38;
	[tilespmem:$0x18300] =	vst v63  }
0x2a: {  	_ =	swait.ge [sflag:s16], $0x80  }
0x2b: {  	[sflag:s16] =	ssyncset.done $0x0  }
0x2c: {  	[sflag:s16] =	ssyncadd.s32 $0xFFFFFF80  }
0x2d: {  	[tilespmem:s23], [sflag:$0x9] =	stream.linear.gather [hbm4b:s9+s4], $0x80, $0x38;
	[tilespmem:$0x18300] =	vst v63  }
0x2e: {  	_ =	swait.ge [sflag:s16], $0x80  }
0x2f: {  	[sflag:s16] =	ssyncset.done $0x0  }
0x30: {  	[sflag:s16] =	ssyncadd.s32 $0xFFFFFF80  }
0x31: {  	[tilespmem:s24], [sflag:$0x9] =	stream.linear.gather [hbm4b:s10+s4], $0x80, $0x38;
	[tilespmem:$0x18300] =	vst v63  }
0x32: {  	_ =	swait.ge [sflag:s16], $0x80  }
0x33: {  	[sflag:s16] =	ssyncset.done $0x0  }
0x34: {  	[sflag:s16] =	ssyncadd.s32 $0xFFFFFF80  }
0x35: {  	[tilespmem:s25], [sflag:$0x2] =	stream.indirect.gather [hbm4b:s1+s19], $0x80, s19, s19, $0xb8;
	[tilespmem:$0x18300] =	vst v63  }
0x36: {  	_ = 	snop  }
0x37: {  	[tilespmem:s26], [sflag:$0x4] =	stream.indirect.gather [hbm4b:s1+s19], $0x80, s23, s19, $0xb8;
	[tilespmem:$0x18300] =	vst v63  }
0x38: {  	s8 =	simm.s32 $0x14300  }
0x39: {  	[tilespmem:s8], [sflag:$0x6] =	stream.indirect.gather [hbm4b:s6+s19], $0x80, s24, s19, $0xb8;
	[tilespmem:$0x18300] =	vst v63  }
0x3a: {  	_ =	swait.ge [sflag:s29], $0x4000  }
0x3b: {  	[sflag:s29] =	ssyncset.done $0x0  }
0x3c: {  	[sflag:s29] =	ssyncadd.s32 $0xFFFFC000  }
0x3d: {  	[hbm4b:s11+s4] =	stream.linear.scatter [tilespmem:s20], [sflag:$0x7], $0x4000, $0x38;
	[tilespmem:$0x18300] =	vst v63  }
0x3e: {  	_ =	swait.ge [sflag:s30], $0x4000  }
0x3f: {  	[sflag:s30] =	ssyncset.done $0x0  }
0x40: {  	[sflag:s30] =	ssyncadd.s32 $0xFFFFC000  }
0x41: {  	_ =	swait.ge [sflag:s31], $0x4000  }
0x42: {  	[sflag:s31] =	ssyncset.done $0x0  }
0x43: {  	s6 =	simm.s32 $0x0;
	[sflag:s31] =	ssyncadd.s32 $0xFFFFC000  }
0x44: {  	v7 =	vld [tilespmem:s6+$0x10300]  }
0x45: {  	v11 =	vld [tilespmem:s6+$0x10310]  }
0x46: {  	v5 =	vld [tilespmem:s6+$0x10320]  }
0x47: {  	v4 =	vld [tilespmem:s6+$0x10330]  }
0x48: {  	v3 =	vld [tilespmem:s6+$0x10340]  }
0x49: {  	v2 =	vld [tilespmem:s6+$0x10350]  }
0x4a: {  	v1 =	vld [tilespmem:s6+$0x10360]  }
0x4b: {  	v0 =	vld [tilespmem:s6+$0x10370]  }
0x4c: {  	v12 =	vld [tilespmem:s6+$0x8300]  }
0x4d: {  	v13 =	vld [tilespmem:s6+$0x8310]  }
0x4e: {  	v10 =	vld [tilespmem:s6+$0x8320]  }
0x4f: {  	v9 =	vld [tilespmem:s6+$0x8330]  }
0x50: {  	v8 =	vld [tilespmem:s6+$0x8340]  }
0x51: {  	v6 =	vld [tilespmem:s6+$0x8350];
	v12 =	vmul.f32 v7, v12  }
0x52: {  	s7 =	simm.s32 $0x200;
	v11 =	vmul.f32 v11, v13;
	v7 =	vld [tilespmem:s6+$0x8360]  }
.LBB2_2:
0x53: {  	s8 =	sshra.s32 s7, $0x2;
	p0 =	sne.s32 s7, $0xFE00;
	[tilespmem:s6+$0x8300] =	vst v12;
	v5 =	vmul.f32 v5, v10;
	v10 =	vld [tilespmem:s6+$0x8370]  }
0x54: {  	v12 =	vld [tilespmem:s8+$0x10300];
	[tilespmem:s6+$0x8310] =	vst v11;
	v4 =	vmul.f32 v4, v9  }
0x55: {  	v11 =	vld [tilespmem:s8+$0x10310];
	[tilespmem:s6+$0x8320] =	vst v5;
	v3 =	vmul.f32 v3, v8  }
0x56: {  	v5 =	vld [tilespmem:s8+$0x10320];
	[tilespmem:s6+$0x8330] =	vst v4;
	v2 =	vmul.f32 v2, v6  }
0x57: {  	v4 =	vld [tilespmem:s8+$0x10330];
	[tilespmem:s6+$0x8340] =	vst v3;
	v1 =	vmul.f32 v1, v7  }
0x58: {  	v3 =	vld [tilespmem:s8+$0x10340];
	[tilespmem:s6+$0x8350] =	vst v2;
	v0 =	vmul.f32 v0, v10  }
0x59: {  	v2 =	vld [tilespmem:s8+$0x10350];
	[tilespmem:s6+$0x8360] =	vst v1  }
0x5a: {  	v1 =	vld [tilespmem:s8+$0x10360];
	[tilespmem:s6+$0x8370] =	vst v0;
	s6 =	smov.u32 s8  }
0x5b: {  	v0 =	vld [tilespmem:s6+$0x10370]  }
0x5c: {  	v6 =	vld [tilespmem:s6+$0x8300]  }
0x5d: {  	v7 =	vld [tilespmem:s6+$0x8310]  }
.Ltmp0:
0x5e: {  	v10 =	vld [tilespmem:s6+$0x8320];
	(pc) =	sbr.rel @p0 .LBB2_2-.Ltmp0, $4  }
0x5f: {  	v9 =	vld [tilespmem:s6+$0x8330]  }
0x60: {  	v8 =	vld [tilespmem:s6+$0x8340]  }
0x61: {  	v12 =	vmul.f32 v12, v6;
	v6 =	vld [tilespmem:s6+$0x8350]  }
0x62: {  	s7 =	sadd.s32 $0x200, s7;
	v11 =	vmul.f32 v11, v7;
	v7 =	vld [tilespmem:s6+$0x8360]  }
0x63: {  	[tilespmem:s6+$0x8300] =	vst v12;
	v5 =	vmul.f32 v5, v10;
	v10 =	vld [tilespmem:s6+$0x8370]  }
0x64: {  	[tilespmem:s6+$0x8310] =	vst v11;
	v4 =	vmul.f32 v4, v9  }
0x65: {  	[tilespmem:s6+$0x8320] =	vst v5;
	v3 =	vmul.f32 v3, v8  }
0x66: {  	[tilespmem:s6+$0x8330] =	vst v4;
	v2 =	vmul.f32 v2, v6  }
0x67: {  	[tilespmem:s6+$0x8340] =	vst v3;
	v1 =	vmul.f32 v1, v7  }
0x68: {  	[tilespmem:s6+$0x8350] =	vst v2;
	v0 =	vmul.f32 v0, v10  }
0x69: {  	[tilespmem:s6+$0x8360] =	vst v1  }
0x6a: {  	s8 =	simm.s32 $0x0;
	[tilespmem:s6+$0x8370] =	vst v0  }
0x6b: {  	[hbm4b:s12+s8] =	stream.linear.scatter [tilespmem:s21], [sflag:$0x8], $0x4000, $0x38;
	[tilespmem:$0x18300] =	vst v63  }
0x6c: {  	_ =	swait.ge [sflag:s0], $0x4000  }
0x6d: {  	[sflag:s0] =	ssyncset.done $0x0  }
0x6e: {  	[sflag:s0] =	ssyncadd.s32 $0xFFFFC000  }
0x6f: {  	[hbm4b:s13+s8] =	stream.linear.scatter [tilespmem:s25], [sflag:$0x7], $0x4000, $0x38;
	[tilespmem:$0x18300] =	vst v63  }
0x70: {  	_ =	swait.ge [sflag:s3], $0x4000  }
0x71: {  	[sflag:s3] =	ssyncset.done $0x0  }
0x72: {  	[sflag:s3] =	ssyncadd.s32 $0xFFFFC000  }
0x73: {  	_ =	swait.ge [sflag:s22], $0x4000  }
0x74: {  	[sflag:s22] =	ssyncset.done $0x0  }
0x75: {  	s6 =	simm.s32 $0x0;
	[sflag:s22] =	ssyncadd.s32 $0xFFFFC000  }
0x76: {  	v7 =	vld [tilespmem:s6+$0x14300]  }
0x77: {  	v11 =	vld [tilespmem:s6+$0x14310]  }
0x78: {  	v5 =	vld [tilespmem:s6+$0x14320]  }
0x79: {  	v4 =	vld [tilespmem:s6+$0x14330]  }
0x7a: {  	v3 =	vld [tilespmem:s6+$0x14340]  }
0x7b: {  	v2 =	vld [tilespmem:s6+$0x14350]  }
0x7c: {  	v1 =	vld [tilespmem:s6+$0x14360]  }
0x7d: {  	v0 =	vld [tilespmem:s6+$0x14370]  }
0x7e: {  	v12 =	vld [tilespmem:s6+$0xC300]  }
0x7f: {  	v13 =	vld [tilespmem:s6+$0xC310]  }
0x80: {  	v10 =	vld [tilespmem:s6+$0xC320]  }
0x81: {  	v9 =	vld [tilespmem:s6+$0xC330]  }
0x82: {  	v8 =	vld [tilespmem:s6+$0xC340]  }
0x83: {  	v6 =	vld [tilespmem:s6+$0xC350];
	v12 =	vmul.f32 v7, v12  }
0x84: {  	s7 =	simm.s32 $0x200;
	v11 =	vmul.f32 v11, v13;
	v7 =	vld [tilespmem:s6+$0xC360]  }
.LBB2_4:
0x85: {  	s8 =	sshra.s32 s7, $0x2;
	p0 =	sne.s32 s7, $0xFE00;
	[tilespmem:s6+$0xC300] =	vst v12;
	v5 =	vmul.f32 v5, v10;
	v10 =	vld [tilespmem:s6+$0xC370]  }
0x86: {  	v12 =	vld [tilespmem:s8+$0x14300];
	[tilespmem:s6+$0xC310] =	vst v11;
	v4 =	vmul.f32 v4, v9  }
0x87: {  	v11 =	vld [tilespmem:s8+$0x14310];
	[tilespmem:s6+$0xC320] =	vst v5;
	v3 =	vmul.f32 v3, v8  }
0x88: {  	v5 =	vld [tilespmem:s8+$0x14320];
	[tilespmem:s6+$0xC330] =	vst v4;
	v2 =	vmul.f32 v2, v6  }
0x89: {  	v4 =	vld [tilespmem:s8+$0x14330];
	[tilespmem:s6+$0xC340] =	vst v3;
	v1 =	vmul.f32 v1, v7  }
0x8a: {  	v3 =	vld [tilespmem:s8+$0x14340];
	[tilespmem:s6+$0xC350] =	vst v2;
	v0 =	vmul.f32 v0, v10  }
0x8b: {  	v2 =	vld [tilespmem:s8+$0x14350];
	[tilespmem:s6+$0xC360] =	vst v1  }
0x8c: {  	v1 =	vld [tilespmem:s8+$0x14360];
	[tilespmem:s6+$0xC370] =	vst v0;
	s6 =	smov.u32 s8  }
0x8d: {  	v0 =	vld [tilespmem:s6+$0x14370]  }
0x8e: {  	v6 =	vld [tilespmem:s6+$0xC300]  }
0x8f: {  	v7 =	vld [tilespmem:s6+$0xC310]  }
.Ltmp1:
0x90: {  	v10 =	vld [tilespmem:s6+$0xC320];
	(pc) =	sbr.rel @p0 .LBB2_4-.Ltmp1, $4  }
0x91: {  	v9 =	vld [tilespmem:s6+$0xC330]  }
0x92: {  	v8 =	vld [tilespmem:s6+$0xC340]  }
0x93: {  	v12 =	vmul.f32 v12, v6;
	v6 =	vld [tilespmem:s6+$0xC350]  }
0x94: {  	s7 =	sadd.s32 $0x200, s7;
	v11 =	vmul.f32 v11, v7;
	v7 =	vld [tilespmem:s6+$0xC360]  }
0x95: {  	[tilespmem:s6+$0xC300] =	vst v12;
	v5 =	vmul.f32 v5, v10;
	v63 =	vld [tilespmem:s6+$0xC370]  }
0x96: {  	[tilespmem:s6+$0xC310] =	vst v11;
	v4 =	vmul.f32 v4, v9  }
0x97: {  	[tilespmem:s6+$0xC320] =	vst v5;
	v3 =	vmul.f32 v3, v8  }
0x98: {  	[tilespmem:s6+$0xC330] =	vst v4;
	v2 =	vmul.f32 v2, v6  }
0x99: {  	[tilespmem:s6+$0xC340] =	vst v3;
	v1 =	vmul.f32 v1, v7  }
0x9a: {  	[tilespmem:s6+$0xC350] =	vst v2;
	v0 =	vmul.f32 v0, v63  }
0x9b: {  	[tilespmem:s6+$0xC360] =	vst v1  }
0x9c: {  	[tilespmem:s6+$0xC370] =	vst v0  }
0x9d: {  	[hbm4b:s14+s4] =	stream.linear.scatter [tilespmem:s26], [sflag:$0x8], $0x4000, $0x38;
	[tilespmem:$0x18300] =	vst v63  }
0x9e: {  	_ =	swait.ge [sflag:s28], $0x4000  }
0x9f: {  	[sflag:s28] =	ssyncset.done $0x0  }
0xa0: {  	[sflag:s28] =	ssyncadd.s32 $0xFFFFC000  }
0xa1: {  	_ =	swait.ge [sflag:s2], $0x4000  }
0xa2: {  	[sflag:s2] =	ssyncset.done $0x0  }
0xa3: {  	s5 =	sadd.s32 $0x1, s5;
	[sflag:s2] =	ssyncadd.s32 $0xFFFFC000  }
0xa4: {  	p0 =	sne.s32 s5, s15;
	_ =	swait.ge [sflag:s28], $0x4000  }
.Ltmp2:
0xa5: {  	[sflag:s28] =	ssyncset.done $0x0;
	(pc) =	sbr.rel @p0 .LBB2_1-.Ltmp2, $4  }
0xa6: {  	[sflag:s28] =	ssyncadd.s32 $0xFFFFC000  }
0xa7: {  	_ =	swait.ge [sflag:s2], $0x4000  }
0xa8: {  	[sflag:s2] =	ssyncset.done $0x0  }
0xa9: {  	[sflag:s2] =	ssyncadd.s32 $0xFFFFC000  }
0xaa: {  	_ =	sfence.sel $0x180000  }
0xab: {  	[bflag:$0x0] =	sbarrier.arrive $0xFFFF  }
0xac: {  	_ =	strace $0x90000047  }
0xad: {  	s0 =	stileid.u32;
	[bflag:$0x2] =	sbarrier.arrive $0xFFFF  }
0xae: {  	p0 =	sne.s32 s0, $0x0;
	s0 =	rddreg [dreg:$0x4]  }
0xaf: {  	s0 =	sadd.s32 @!p0 $0x100000, s0  }
0xb0: {  	[sflag:s0] =	ssyncadd.tile.s32 @!p0 $0x1;
	_ =	shalt  }
.Lfunc_end2:
_tile_overlayer_lowered:
.L_overlay_start_2:
0xb1: {  	(tag) =	ssettag $0x2  }
0xb2: {  	s0 =	rddreg [dreg:$0x0];
	s2 =	stileid.u32  }
0xb3: {  	s1 =	rddreg [dreg:$0x1];
	p0 =	sne.s32 s2, $0x0  }
0xb4: {  	s3 =	rddreg [dreg:$0x2];
	[bflag:$0x3] =	sbarrier.arrive $0xFFFF;
	s2 =	simm.s32 @!p0 $0x1C09  }
0xb5: {  	[timem:s3], [sflag:s2] =	dma.local @!p0 [hbm:s0], s1  }
0xb6: {  	s0 =	simm.s32 @!p0 $0x9  }
0xb7: {  	_ =	swait.ge @!p0 [sflag:s0], s1  }
0xb8: {  	s1 =	ssub.s32 @!p0 $0x0, s1;
	[sflag:s0] =	ssyncset.done @!p0 $0x0  }
0xb9: {  	[sflag:s0] =	ssyncadd.s32 @!p0 s1  }
0xba: {  	[bflag:$0x3] =	sbarrier.arrive $0xFFFF  }
0xbb: {  	_ =	shalt  }

</sc_bundles>
